<compile_context>
chip_gen: v7x
topology: tpu7x:2x2x1
jax: 0.10.2.dev20260603
libtpu: 0.0.44.dev20260713+nightly
codegen_flags: <defaults>
</compile_context>

<pallas_src>
import jax
import jax.numpy as jnp
from jax import lax
from jax.experimental import pallas as pl
from jax.experimental.pallas import tpu as pltpu
from jax.experimental.pallas import tpu_sc as plsc

_B = 16384
_L = 200
_D = 64
_NW = 32
_EPW = _B // _NW
_G = 64
_NG = _EPW // _G
_C0 = 128
_C1 = _L - _C0


def _sc_pool_body(xf_hbm, emb_hbm, out_hbm, idx_v, rows_v, pooled_v, sem0, sem1):
    wid = lax.axis_index("s") * 2 + lax.axis_index("c")
    sems = (sem0, sem1)

    def fire(el, b):
        base = pl.multiple_of(el * _L, 8)
        rb = rows_v.at[b]
        pltpu.async_copy(emb_hbm.at[idx_v.at[pl.ds(base, _C0)]],
                         rb.at[pl.ds(0, _C0)], sems[b])
        pltpu.async_copy(emb_hbm.at[idx_v.at[pl.ds(base + _C0, _C1)]],
                         rb.at[pl.ds(_C0, _C1)], sems[b])

    def wait(b):
        pltpu.make_async_copy(emb_hbm.at[pl.ds(0, _L)], rows_v.at[b], sems[b]).wait()

    def accumulate(el, b):
        def rbody(i, acc):
            acc = list(acc)
            for k in range(8):
                r = i * 8 + k
                p = k % 2
                for j in range(4):
                    acc[j * 2 + p] = acc[j * 2 + p] + rows_v[b, r, pl.ds(j * 16, 16)]
            return tuple(acc)

        zero = jnp.zeros((16,), jnp.float32)
        acc = lax.fori_loop(0, _L // 8, rbody, (zero,) * 8)
        for j in range(4):
            pooled_v[el, pl.ds(j * 16, 16)] = acc[j * 2] + acc[j * 2 + 1]

    def group_body(g, _):
        row0 = pl.multiple_of(wid * _EPW + g * _G, 8)
        pltpu.sync_copy(xf_hbm.at[pl.ds(pl.multiple_of(row0 * _L, 8), _G * _L)], idx_v)
        fire(0, 0)

        def pair_body(t, __):
            for b in range(2):
                el = t * 2 + b

                @pl.when(el + 1 < _G)
                def _():
                    fire(el + 1, b ^ 1)

                wait(b)
                accumulate(el, b)
            return 0

        lax.fori_loop(0, _G // 2, pair_body, 0)
        pltpu.sync_copy(pooled_v, out_hbm.at[pl.ds(row0, _G), :])
        return 0

    lax.fori_loop(0, _NG, group_body, 0)


def _sc_pool(x_flat, emb):
    mesh = plsc.VectorSubcoreMesh(core_axis_name="c", subcore_axis_name="s")
    f = pl.kernel(
        _sc_pool_body,
        out_type=jax.ShapeDtypeStruct((_B, _D), jnp.float32),
        mesh=mesh,
        scratch_types=[
            pltpu.VMEM((_G * _L,), jnp.int32),
            pltpu.VMEM((2, _L, _D), jnp.float32),
            pltpu.VMEM((_G, _D), jnp.float32),
            pltpu.SemaphoreType.DMA,
            pltpu.SemaphoreType.DMA,
        ],
        compiler_params=pltpu.CompilerParams(use_tc_tiling_on_sc=False),
    )
    return f(x_flat, emb)


_TRW = 2048


def _tr_body(e_ref, y_ref):
    c = jnp.concatenate([e_ref[:, : _TRW // 2], e_ref[:, _TRW // 2:]], axis=0)
    y_ref[...] = c.T


def _tc_relayout(emb_t):
    v = emb_t.shape[1]
    g = (v + _TRW - 1) // _TRW
    return pl.pallas_call(
        _tr_body,
        grid=(g,),
        in_specs=[pl.BlockSpec((_D, _TRW), lambda i: (0, i))],
        out_specs=pl.BlockSpec((_TRW // 2, 2 * _D), lambda i: (i, 0)),
        out_shape=jax.ShapeDtypeStruct((g * (_TRW // 2), 2 * _D), jnp.float32),
    )(emb_t)


def _remap_idx(x):
    return (x & ~2047) + ((x & 1023) << 1) + ((x >> 10) & 1)


def _mlp_body(p_ref, w1_ref, b1_ref, w2_ref, b2_ref, ot_ref):
    p = p_ref[...] * (1.0 / _L)
    h = lax.dot_general(p, w1_ref[...], (((1,), (1,)), ((), ())),
                        preferred_element_type=jnp.float32) + b1_ref[...]
    h = jnp.maximum(h, 0.0)
    ot_ref[...] = lax.dot_general(w2_ref[...], h, (((1,), (1,)), ((), ())),
                                  preferred_element_type=jnp.float32) + b2_ref[...]


def _tc_mlp_t(pooled, W1, b1, W2, b2):
    bt = 2048
    nc = W2.shape[0]
    return pl.pallas_call(
        _mlp_body,
        grid=(_B // bt,),
        in_specs=[
            pl.BlockSpec((bt, _D), lambda i: (i, 0)),
            pl.BlockSpec((_D, _D), lambda i: (0, 0)),
            pl.BlockSpec((1, _D), lambda i: (0, 0)),
            pl.BlockSpec((nc, _D), lambda i: (0, 0)),
            pl.BlockSpec((nc, 1), lambda i: (0, 0)),
        ],
        out_specs=pl.BlockSpec((nc, bt), lambda i: (0, i)),
        out_shape=jax.ShapeDtypeStruct((nc, _B), jnp.float32),
    )(pooled, W1, b1, W2, b2)


def kernel(x, seq_lens, emb, W1, b1, W2, b2):
    del seq_lens
    x_flat = lax.optimization_barrier(_remap_idx(x).reshape(-1))
    y = _tc_relayout(emb.T)
    emb_lin = y.reshape(y.shape[0] * 2, _D)
    pooled = _sc_pool(x_flat, emb_lin)
    out_t = _tc_mlp_t(pooled, W1, b1.reshape(1, -1), W2, b2.reshape(-1, 1))
    return out_t.T

# --- scband reference (transcript-rebuilt; emitter-appended) ---
"""Pipeline reference for scband-fast-text-model-31241592111115 (READ-ONLY COPY).

The authoritative reference and input builder live on the scoring server;
editing this copy changes nothing except your own understanding.
"""

import jax, jax.numpy as jnp
import numpy as np

VOCAB = 1000000
EMBED_DIM = 64
NUM_CLASSES = 1000
BATCH = 16384
HIST = 200


def setup_inputs(seed: int = 0) -> dict:
    key = jax.random.key(seed)
    k1, k2, k3, k4, k5, k6, k7 = jax.random.split(key, 7)
    x = jax.random.randint(k1, (BATCH, HIST), 0, VOCAB, dtype=jnp.int64 if jax.config.jax_enable_x64 else jnp.int32)
    seq_lens = jax.random.randint(k2, (BATCH,), 0, HIST, dtype=jnp.int64 if jax.config.jax_enable_x64 else jnp.int32)
    emb = jax.random.normal(k3, (VOCAB, EMBED_DIM), dtype=jnp.float32)
    # padding_idx = VOCAB - 1: torch nn.Embedding zeros that row at init
    emb = emb.at[VOCAB - 1].set(0.0)
    bound1 = 1.0 / np.sqrt(EMBED_DIM)
    W1 = jax.random.uniform(k4, (EMBED_DIM, EMBED_DIM), minval=-bound1, maxval=bound1, dtype=jnp.float32)
    b1 = jax.random.uniform(k5, (EMBED_DIM,), minval=-bound1, maxval=bound1, dtype=jnp.float32)
    W2 = jax.random.uniform(k6, (NUM_CLASSES, EMBED_DIM), minval=-bound1, maxval=bound1, dtype=jnp.float32)
    b2 = jax.random.uniform(k7, (NUM_CLASSES,), minval=-bound1, maxval=bound1, dtype=jnp.float32)
    return {"x": x, "seq_lens": seq_lens, "emb": emb, "W1": W1, "b1": b1, "W2": W2, "b2": b2}


def reference(x, seq_lens, emb, W1, b1, W2, b2):
    # embedding lookup (gather)
    e = jnp.take(emb, x, axis=0)            # [B, L, D]
    out = e.mean(axis=1)                     # [B, D]
    out = out @ W1.T + b1                    # fc1
    out = jax.nn.relu(out)
    # dropout is identity in eval mode
    out = out @ W2.T + b2                    # fc2
    return out

if __name__ == "__main__":
    import jax
    _d = setup_inputs()
    print(jax.jit(kernel)(*tuple(_d.values())))

</pallas_src>

<mosaic_0001>
#map = affine_map<(d0, d1) -> (0)>
#map1 = affine_map<(d0, d1) -> (0, 0)>
module attributes {stable_mosaic.version = 14 : i64} {
  func.func @_sc_pool_body(%arg0: i32, %arg1: i32, %arg2: memref<3276800xi32, #tpu.memory_space<hbm>>, %arg3: memref<1001472x64xf32, #tpu.memory_space<hbm>>, %arg4: memref<16384x64xf32, #tpu.memory_space<hbm>>, %arg5: memref<12800xi32, #tpu.memory_space<vmem>>, %arg6: memref<2x200x64xf32, #tpu.memory_space<vmem>>, %arg7: memref<64x64xf32, #tpu.memory_space<vmem>>, %arg8: memref<!tpu.dma_semaphore, #tpu.memory_space<semaphore_mem>>, %arg9: memref<!tpu.dma_semaphore, #tpu.memory_space<semaphore_mem>>) attributes {dimension_semantics = [#tpu.dimension_semantics<core_parallel>, #tpu.dimension_semantics<subcore_parallel>], iteration_bounds = array<i64: 2, 16>, scalar_prefetch = 0 : i64, scratch_operands = 5 : i64, tpu.core_type = #tpu.core_type<sc_vector_subcore>, window_params = [{transform_indices = #map}, {transform_indices = #map1}, {transform_indices = #map1}]} {
    %mul3A = arith.constant 2 : i32
    %mul3A_0 = arith.muli %arg1, %mul3A : i32
    %add3A = arith.addi %mul3A_0, %arg0 : i32
    %scan3A = arith.constant 0 : i32
    %scan3A_1 = arith.constant 0 : i32
    %scan3A_2 = arith.constant 8 : i32
    %scan3A_3 = arith.addi %scan3A_1, %scan3A_2 : i32
    %scan3A_4 = arith.constant 1 : i32
    %scan3A_5 = scf.for %scan3A_7 = %scan3A_1 to %scan3A_3 step %scan3A_4 iter_args(%scan3A_8 = %scan3A) -> (i32)  : i32 {
      %mul3A_9 = arith.constant 512 : i32
      %mul3A_10 = arith.muli %add3A, %mul3A_9 : i32
      %mul3A_11 = arith.constant 64 : i32
      %mul3A_12 = arith.muli %scan3A_7, %mul3A_11 : i32
      %add3A_13 = arith.addi %mul3A_10, %mul3A_12 : i32
      %multiple_of3A = tpu.assume_multiple %add3A_13, 8 : i32
      %mul3A_14 = arith.constant 200 : i32
      %mul3A_15 = arith.muli %multiple_of3A, %mul3A_14 : i32
      %multiple_of3A_16 = tpu.assume_multiple %mul3A_15, 8 : i32
      "tpu.region"() ({
        %run_scoped3A = tpu.sem_alloc : memref<!tpu.dma_semaphore, #tpu.memory_space<semaphore_mem>>
        %dma_start3A_52 = tpu.memref_slice %arg2[%multiple_of3A_16] : memref<3276800xi32, #tpu.memory_space<hbm>> -> memref<12800xi32, #tpu.memory_space<hbm>>
        %dma_start3A_53 = tpu.memref_slice %arg2[%multiple_of3A_16] : memref<3276800xi32, #tpu.memory_space<hbm>> -> memref<12800xi32, #tpu.memory_space<hbm>>
        tpu.enqueue_dma source(%dma_start3A_53 : memref<12800xi32, #tpu.memory_space<hbm>>) target(%arg5 : memref<12800xi32, #tpu.memory_space<vmem>>) target_semaphore(%run_scoped3A : memref<!tpu.dma_semaphore, #tpu.memory_space<semaphore_mem>>)
        %dma_wait3A = tpu.memref_slice %arg2[%multiple_of3A_16] : memref<3276800xi32, #tpu.memory_space<hbm>> -> memref<12800xi32, #tpu.memory_space<hbm>>
        %dma_wait3A_54 = tpu.memref_slice %arg2[%multiple_of3A_16] : memref<3276800xi32, #tpu.memory_space<hbm>> -> memref<12800xi32, #tpu.memory_space<hbm>>
        tpu.wait_dma2 semaphore(%run_scoped3A : memref<!tpu.dma_semaphore, #tpu.memory_space<semaphore_mem>>) src(%dma_wait3A_54 : memref<12800xi32, #tpu.memory_space<hbm>>) dst(%arg5 : memref<12800xi32, #tpu.memory_space<vmem>>)
        tpu.yield
      }) : () -> ()
      %multiple_of3A_17 = arith.constant 0 : i32
      %multiple_of3A_18 = tpu.assume_multiple %multiple_of3A_17, 8 : i32
      %dma_start3A = arith.constant 0 : i32
      %dma_start3A_19 = arith.constant 0 : i32
      %dma_start3A_20 = arith.constant 0 : i32
      %dma_start3A_21 = tpu.memref_slice %arg6[%dma_start3A, %dma_start3A_19, %dma_start3A_20] : memref<2x200x64xf32, #tpu.memory_space<vmem>> -> memref<1x200x64xf32, #tpu.memory_space<vmem>>
      %dma_start3A_22 = tpu.memref_squeeze %dma_start3A_21 : memref<1x200x64xf32, #tpu.memory_space<vmem>> -> memref<200x64xf32, #tpu.memory_space<vmem>>
      %dma_start3A_23 = arith.constant 0 : i32
      %dma_start3A_24 = arith.constant 0 : i32
      %dma_start3A_25 = tpu.memref_slice %dma_start3A_22[%dma_start3A_23, %dma_start3A_24] : memref<200x64xf32, #tpu.memory_space<vmem>> -> memref<128x64xf32, #tpu.memory_space<vmem>>
      %dma_start3A_26 = tpu.memref_slice %arg5[%multiple_of3A_18] : memref<12800xi32, #tpu.memory_space<vmem>> -> memref<128xi32, #tpu.memory_space<vmem>>
      %dma_start3A_27 = arith.constant 0 : i32
      %dma_start3A_28 = arith.constant 0 : i32
      %dma_start3A_29 = tpu.memref_slice %arg3[%dma_start3A_27, %dma_start3A_28] : memref<1001472x64xf32, #tpu.memory_space<hbm>> -> memref<1001472x64xf32, #tpu.memory_space<hbm>>
      tpu.enqueue_indirect_dma source(%dma_start3A_29 : memref<1001472x64xf32, #tpu.memory_space<hbm>>) target(%dma_start3A_25 : memref<128x64xf32, #tpu.memory_space<vmem>>) offsets(%dma_start3A_26 : memref<128xi32, #tpu.memory_space<vmem>>) semaphore(%arg8 : memref<!tpu.dma_semaphore, #tpu.memory_space<semaphore_mem>>)
      %add3A_30 = arith.constant 128 : i32
      %add3A_31 = arith.addi %multiple_of3A_18, %add3A_30 : i32
      %dma_start3A_32 = arith.constant 0 : i32
      %dma_start3A_33 = arith.constant 0 : i32
      %dma_start3A_34 = arith.constant 0 : i32
      %dma_start3A_35 = tpu.memref_slice %arg6[%dma_start3A_32, %dma_start3A_33, %dma_start3A_34] : memref<2x200x64xf32, #tpu.memory_space<vmem>> -> memref<1x200x64xf32, #tpu.memory_space<vmem>>
      %dma_start3A_36 = tpu.memref_squeeze %dma_start3A_35 : memref<1x200x64xf32, #tpu.memory_space<vmem>> -> memref<200x64xf32, #tpu.memory_space<vmem>>
      %dma_start3A_37 = arith.constant 128 : i32
      %dma_start3A_38 = arith.constant 0 : i32
      %dma_start3A_39 = tpu.memref_slice %dma_start3A_36[%dma_start3A_37, %dma_start3A_38] : memref<200x64xf32, #tpu.memory_space<vmem>> -> memref<72x64xf32, #tpu.memory_space<vmem>>
      %dma_start3A_40 = tpu.memref_slice %arg5[%add3A_31] : memref<12800xi32, #tpu.memory_space<vmem>> -> memref<72xi32, #tpu.memory_space<vmem>>
      %dma_start3A_41 = arith.constant 0 : i32
      %dma_start3A_42 = arith.constant 0 : i32
      %dma_start3A_43 = tpu.memref_slice %arg3[%dma_start3A_41, %dma_start3A_42] : memref<1001472x64xf32, #tpu.memory_space<hbm>> -> memref<1001472x64xf32, #tpu.memory_space<hbm>>
      tpu.enqueue_indirect_dma source(%dma_start3A_43 : memref<1001472x64xf32, #tpu.memory_space<hbm>>) target(%dma_start3A_39 : memref<72x64xf32, #tpu.memory_space<vmem>>) offsets(%dma_start3A_40 : memref<72xi32, #tpu.memory_space<vmem>>) semaphore(%arg8 : memref<!tpu.dma_semaphore, #tpu.memory_space<semaphore_mem>>)
      %scan3A_44 = arith.constant 0 : i32
      %scan3A_45 = arith.constant 0 : i32
      %scan3A_46 = arith.constant 32 : i32
      %scan3A_47 = arith.addi %scan3A_45, %scan3A_46 : i32
      %scan3A_48 = arith.constant 1 : i32
      %scan3A_49 = scf.for %scan3A_52 = %scan3A_45 to %scan3A_47 step %scan3A_48 iter_args(%scan3A_53 = %scan3A_44) -> (i32)  : i32 {
        %mul3A_54 = arith.constant 2 : i32
        %mul3A_55 = arith.muli %scan3A_52, %mul3A_54 : i32
        %add3A_56 = arith.constant 0 : i32
        %add3A_57 = arith.addi %mul3A_55, %add3A_56 : i32
        %add3A_58 = arith.constant 1 : i32
        %add3A_59 = arith.addi %add3A_57, %add3A_58 : i32
        %lt3A = arith.constant 64 : i32
        %lt3A_60 = arith.cmpi slt, %add3A_59, %lt3A : i32
        %convert_element_type3A = arith.extui %lt3A_60 : i1 to i32
        %cond3A = arith.constant 0 : i32
        %cond3A_61 = arith.cmpi ne, %convert_element_type3A, %cond3A : i32
        scf.if %cond3A_61 {
          %add3A_165 = arith.constant 1 : i32
          %add3A_166 = arith.addi %add3A_57, %add3A_165 : i32
          %mul3A_167 = arith.constant 200 : i32
          %mul3A_168 = arith.muli %add3A_166, %mul3A_167 : i32
          %multiple_of3A_169 = tpu.assume_multiple %mul3A_168, 8 : i32
          %dma_start3A_170 = arith.constant 1 : i32
          %dma_start3A_171 = arith.constant 0 : i32
          %dma_start3A_172 = arith.constant 0 : i32
          %dma_start3A_173 = tpu.memref_slice %arg6[%dma_start3A_170, %dma_start3A_171, %dma_start3A_172] : memref<2x200x64xf32, #tpu.memory_space<vmem>> -> memref<1x200x64xf32, #tpu.memory_space<vmem>>
          %dma_start3A_174 = tpu.memref_squeeze %dma_start3A_173 : memref<1x200x64xf32, #tpu.memory_space<vmem>> -> memref<200x64xf32, #tpu.memory_space<vmem>>
          %dma_start3A_175 = arith.constant 0 : i32
          %dma_start3A_176 = arith.constant 0 : i32
          %dma_start3A_177 = tpu.memref_slice %dma_start3A_174[%dma_start3A_175, %dma_start3A_176] : memref<200x64xf32, #tpu.memory_space<vmem>> -> memref<128x64xf32, #tpu.memory_space<vmem>>
          %dma_start3A_178 = tpu.memref_slice %arg5[%multiple_of3A_169] : memref<12800xi32, #tpu.memory_space<vmem>> -> memref<128xi32, #tpu.memory_space<vmem>>
          %dma_start3A_179 = arith.constant 0 : i32
          %dma_start3A_180 = arith.constant 0 : i32
          %dma_start3A_181 = tpu.memref_slice %arg3[%dma_start3A_179, %dma_start3A_180] : memref<1001472x64xf32, #tpu.memory_space<hbm>> -> memref<1001472x64xf32, #tpu.memory_space<hbm>>
          tpu.enqueue_indirect_dma source(%dma_start3A_181 : memref<1001472x64xf32, #tpu.memory_space<hbm>>) target(%dma_start3A_177 : memref<128x64xf32, #tpu.memory_space<vmem>>) offsets(%dma_start3A_178 : memref<128xi32, #tpu.memory_space<vmem>>) semaphore(%arg9 : memref<!tpu.dma_semaphore, #tpu.memory_space<semaphore_mem>>)
          %add3A_182 = arith.constant 128 : i32
          %add3A_183 = arith.addi %multiple_of3A_169, %add3A_182 : i32
          %dma_start3A_184 = arith.constant 1 : i32
          %dma_start3A_185 = arith.constant 0 : i32
          %dma_start3A_186 = arith.constant 0 : i32
          %dma_start3A_187 = tpu.memref_slice %arg6[%dma_start3A_184, %dma_start3A_185, %dma_start3A_186] : memref<2x200x64xf32, #tpu.memory_space<vmem>> -> memref<1x200x64xf32, #tpu.memory_space<vmem>>
          %dma_start3A_188 = tpu.memref_squeeze %dma_start3A_187 : memref<1x200x64xf32, #tpu.memory_space<vmem>> -> memref<200x64xf32, #tpu.memory_space<vmem>>
          %dma_start3A_189 = arith.constant 128 : i32
          %dma_start3A_190 = arith.constant 0 : i32
          %dma_start3A_191 = tpu.memref_slice %dma_start3A_188[%dma_start3A_189, %dma_start3A_190] : memref<200x64xf32, #tpu.memory_space<vmem>> -> memref<72x64xf32, #tpu.memory_space<vmem>>
          %dma_start3A_192 = tpu.memref_slice %arg5[%add3A_183] : memref<12800xi32, #tpu.memory_space<vmem>> -> memref<72xi32, #tpu.memory_space<vmem>>
          %dma_start3A_193 = arith.constant 0 : i32
          %dma_start3A_194 = arith.constant 0 : i32
          %dma_start3A_195 = tpu.memref_slice %arg3[%dma_start3A_193, %dma_start3A_194] : memref<1001472x64xf32, #tpu.memory_space<hbm>> -> memref<1001472x64xf32, #tpu.memory_space<hbm>>
          tpu.enqueue_indirect_dma source(%dma_start3A_195 : memref<1001472x64xf32, #tpu.memory_space<hbm>>) target(%dma_start3A_191 : memref<72x64xf32, #tpu.memory_space<vmem>>) offsets(%dma_start3A_192 : memref<72xi32, #tpu.memory_space<vmem>>) semaphore(%arg9 : memref<!tpu.dma_semaphore, #tpu.memory_space<semaphore_mem>>)
        } else {
        }
        %dma_wait3A = arith.constant 0 : i32
        %dma_wait3A_62 = arith.constant 0 : i32
        %dma_wait3A_63 = arith.constant 0 : i32
        %dma_wait3A_64 = tpu.memref_slice %arg6[%dma_wait3A, %dma_wait3A_62, %dma_wait3A_63] : memref<2x200x64xf32, #tpu.memory_space<vmem>> -> memref<1x200x64xf32, #tpu.memory_space<vmem>>
        %dma_wait3A_65 = tpu.memref_squeeze %dma_wait3A_64 : memref<1x200x64xf32, #tpu.memory_space<vmem>> -> memref<200x64xf32, #tpu.memory_space<vmem>>
        %dma_wait3A_66 = arith.constant 0 : i32
        %dma_wait3A_67 = arith.constant 0 : i32
        %dma_wait3A_68 = tpu.memref_slice %arg3[%dma_wait3A_66, %dma_wait3A_67] : memref<1001472x64xf32, #tpu.memory_space<hbm>> -> memref<200x64xf32, #tpu.memory_space<hbm>>
        %dma_wait3A_69 = arith.constant 0 : i32
        %dma_wait3A_70 = arith.constant 0 : i32
        %dma_wait3A_71 = tpu.memref_slice %arg6[%dma_wait3A, %dma_wait3A_69, %dma_wait3A_70] : memref<2x200x64xf32, #tpu.memory_space<vmem>> -> memref<1x200x64xf32, #tpu.memory_space<vmem>>
        %dma_wait3A_72 = tpu.memref_squeeze %dma_wait3A_71 : memref<1x200x64xf32, #tpu.memory_space<vmem>> -> memref<200x64xf32, #tpu.memory_space<vmem>>
        %dma_wait3A_73 = arith.constant 0 : i32
        %dma_wait3A_74 = arith.constant 0 : i32
        %dma_wait3A_75 = tpu.memref_slice %arg3[%dma_wait3A_73, %dma_wait3A_74] : memref<1001472x64xf32, #tpu.memory_space<hbm>> -> memref<200x64xf32, #tpu.memory_space<hbm>>
        tpu.wait_dma2 semaphore(%arg8 : memref<!tpu.dma_semaphore, #tpu.memory_space<semaphore_mem>>) src(%dma_wait3A_75 : memref<200x64xf32, #tpu.memory_space<hbm>>) dst(%dma_wait3A_72 : memref<200x64xf32, #tpu.memory_space<vmem>>)
        %broadcast_in_dim3A = arith.constant 0.000000e+00 : f32
        %broadcast_in_dim3A_76 = vector.broadcast %broadcast_in_dim3A : f32 to vector<16xf32>
        %scan3A_77 = arith.constant 0 : i32
        %scan3A_78 = arith.constant 25 : i32
        %scan3A_79 = arith.addi %scan3A_77, %scan3A_78 : i32
        %scan3A_80 = arith.constant 1 : i32
        %scan3A_81:8 = scf.for %scan3A_165 = %scan3A_77 to %scan3A_79 step %scan3A_80 iter_args(%scan3A_166 = %broadcast_in_dim3A_76, %scan3A_167 = %broadcast_in_dim3A_76, %scan3A_168 = %broadcast_in_dim3A_76, %scan3A_169 = %broadcast_in_dim3A_76, %scan3A_170 = %broadcast_in_dim3A_76, %scan3A_171 = %broadcast_in_dim3A_76, %scan3A_172 = %broadcast_in_dim3A_76, %scan3A_173 = %broadcast_in_dim3A_76) -> (vector<16xf32>, vector<16xf32>, vector<16xf32>, vector<16xf32>, vector<16xf32>, vector<16xf32>, vector<16xf32>, vector<16xf32>)  : i32 {
          %mul3A_174 = arith.constant 8 : i32
          %mul3A_175 = arith.muli %scan3A_165, %mul3A_174 : i32
          %add3A_176 = arith.constant 0 : i32
          %add3A_177 = arith.addi %mul3A_175, %add3A_176 : i32
          %get3A = arith.constant 0 : i32
          %get3A_178 = arith.index_cast %get3A : i32 to index
          %get3A_179 = arith.index_cast %add3A_177 : i32 to index
          %get3A_180 = arith.constant 0 : index
          %get3A_181 = tpu.vector_load %arg6[%get3A_178, %get3A_179, %get3A_180] {strides = array<i32>} : memref<2x200x64xf32, #tpu.memory_space<vmem>>, vector<1x1x16xf32>,
          %get3A_182 = vector.shape_cast %get3A_181 : vector<1x1x16xf32> to vector<16xf32>
          %add3A_183 = arith.addf %scan3A_166, %get3A_182 : vector<16xf32>
          %get3A_184 = arith.constant 0 : i32
          %get3A_185 = arith.index_cast %get3A_184 : i32 to index
          %get3A_186 = arith.index_cast %add3A_177 : i32 to index
          %get3A_187 = arith.constant 16 : index
          %get3A_188 = tpu.vector_load %arg6[%get3A_185, %get3A_186, %get3A_187] {strides = array<i32>} : memref<2x200x64xf32, #tpu.memory_space<vmem>>, vector<1x1x16xf32>,
          %get3A_189 = vector.shape_cast %get3A_188 : vector<1x1x16xf32> to vector<16xf32>
          %add3A_190 = arith.addf %scan3A_168, %get3A_189 : vector<16xf32>
          %get3A_191 = arith.constant 0 : i32
          %get3A_192 = arith.index_cast %get3A_191 : i32 to index
          %get3A_193 = arith.index_cast %add3A_177 : i32 to index
          %get3A_194 = arith.constant 32 : index
          %get3A_195 = tpu.vector_load %arg6[%get3A_192, %get3A_193, %get3A_194] {strides = array<i32>} : memref<2x200x64xf32, #tpu.memory_space<vmem>>, vector<1x1x16xf32>,
          %get3A_196 = vector.shape_cast %get3A_195 : vector<1x1x16xf32> to vector<16xf32>
          %add3A_197 = arith.addf %scan3A_170, %get3A_196 : vector<16xf32>
          %get3A_198 = arith.constant 0 : i32
          %get3A_199 = arith.index_cast %get3A_198 : i32 to index
          %get3A_200 = arith.index_cast %add3A_177 : i32 to index
          %get3A_201 = arith.constant 48 : index
          %get3A_202 = tpu.vector_load %arg6[%get3A_199, %get3A_200, %get3A_201] {strides = array<i32>} : memref<2x200x64xf32, #tpu.memory_space<vmem>>, vector<1x1x16xf32>,
          %get3A_203 = vector.shape_cast %get3A_202 : vector<1x1x16xf32> to vector<16xf32>
          %add3A_204 = arith.addf %scan3A_172, %get3A_203 : vector<16xf32>
          %mul3A_205 = arith.constant 8 : i32
          %mul3A_206 = arith.muli %scan3A_165, %mul3A_205 : i32
          %add3A_207 = arith.constant 1 : i32
          %add3A_208 = arith.addi %mul3A_206, %add3A_207 : i32
          %get3A_209 = arith.constant 0 : i32
          %get3A_210 = arith.index_cast %get3A_209 : i32 to index
          %get3A_211 = arith.index_cast %add3A_208 : i32 to index
          %get3A_212 = arith.constant 0 : index
          %get3A_213 = tpu.vector_load %arg6[%get3A_210, %get3A_211, %get3A_212] {strides = array<i32>} : memref<2x200x64xf32, #tpu.memory_space<vmem>>, vector<1x1x16xf32>,
          %get3A_214 = vector.shape_cast %get3A_213 : vector<1x1x16xf32> to vector<16xf32>
          %add3A_215 = arith.addf %scan3A_167, %get3A_214 : vector<16xf32>
          %get3A_216 = arith.constant 0 : i32
          %get3A_217 = arith.index_cast %get3A_216 : i32 to index
          %get3A_218 = arith.index_cast %add3A_208 : i32 to index
          %get3A_219 = arith.constant 16 : index
          %get3A_220 = tpu.vector_load %arg6[%get3A_217, %get3A_218, %get3A_219] {strides = array<i32>} : memref<2x200x64xf32, #tpu.memory_space<vmem>>, vector<1x1x16xf32>,
          %get3A_221 = vector.shape_cast %get3A_220 : vector<1x1x16xf32> to vector<16xf32>
          %add3A_222 = arith.addf %scan3A_169, %get3A_221 : vector<16xf32>
          %get3A_223 = arith.constant 0 : i32
          %get3A_224 = arith.index_cast %get3A_223 : i32 to index
          %get3A_225 = arith.index_cast %add3A_208 : i32 to index
          %get3A_226 = arith.constant 32 : index
          %get3A_227 = tpu.vector_load %arg6[%get3A_224, %get3A_225, %get3A_226] {strides = array<i32>} : memref<2x200x64xf32, #tpu.memory_space<vmem>>, vector<1x1x16xf32>,
          %get3A_228 = vector.shape_cast %get3A_227 : vector<1x1x16xf32> to vector<16xf32>
          %add3A_229 = arith.addf %scan3A_171, %get3A_228 : vector<16xf32>
          %get3A_230 = arith.constant 0 : i32
          %get3A_231 = arith.index_cast %get3A_230 : i32 to index
          %get3A_232 = arith.index_cast %add3A_208 : i32 to index
          %get3A_233 = arith.constant 48 : index
          %get3A_234 = tpu.vector_load %arg6[%get3A_231, %get3A_232, %get3A_233] {strides = array<i32>} : memref<2x200x64xf32, #tpu.memory_space<vmem>>, vector<1x1x16xf32>,
          %get3A_235 = vector.shape_cast %get3A_234 : vector<1x1x16xf32> to vector<16xf32>
          %add3A_236 = arith.addf %scan3A_173, %get3A_235 : vector<16xf32>
          %mul3A_237 = arith.constant 8 : i32
          %mul3A_238 = arith.muli %scan3A_165, %mul3A_237 : i32
          %add3A_239 = arith.constant 2 : i32
          %add3A_240 = arith.addi %mul3A_238, %add3A_239 : i32
          %get3A_241 = arith.constant 0 : i32
          %get3A_242 = arith.index_cast %get3A_241 : i32 to index
          %get3A_243 = arith.index_cast %add3A_240 : i32 to index
          %get3A_244 = arith.constant 0 : index
          %get3A_245 = tpu.vector_load %arg6[%get3A_242, %get3A_243, %get3A_244] {strides = array<i32>} : memref<2x200x64xf32, #tpu.memory_space<vmem>>, vector<1x1x16xf32>,
          %get3A_246 = vector.shape_cast %get3A_245 : vector<1x1x16xf32> to vector<16xf32>
          %add3A_247 = arith.addf %add3A_183, %get3A_246 : vector<16xf32>
          %get3A_248 = arith.constant 0 : i32
          %get3A_249 = arith.index_cast %get3A_248 : i32 to index
          %get3A_250 = arith.index_cast %add3A_240 : i32 to index
          %get3A_251 = arith.constant 16 : index
          %get3A_252 = tpu.vector_load %arg6[%get3A_249, %get3A_250, %get3A_251] {strides = array<i32>} : memref<2x200x64xf32, #tpu.memory_space<vmem>>, vector<1x1x16xf32>,
          %get3A_253 = vector.shape_cast %get3A_252 : vector<1x1x16xf32> to vector<16xf32>
          %add3A_254 = arith.addf %add3A_190, %get3A_253 : vector<16xf32>
          %get3A_255 = arith.constant 0 : i32
          %get3A_256 = arith.index_cast %get3A_255 : i32 to index
          %get3A_257 = arith.index_cast %add3A_240 : i32 to index
          %get3A_258 = arith.constant 32 : index
          %get3A_259 = tpu.vector_load %arg6[%get3A_256, %get3A_257, %get3A_258] {strides = array<i32>} : memref<2x200x64xf32, #tpu.memory_space<vmem>>, vector<1x1x16xf32>,
          %get3A_260 = vector.shape_cast %get3A_259 : vector<1x1x16xf32> to vector<16xf32>
          %add3A_261 = arith.addf %add3A_197, %get3A_260 : vector<16xf32>
          %get3A_262 = arith.constant 0 : i32
          %get3A_263 = arith.index_cast %get3A_262 : i32 to index
          %get3A_264 = arith.index_cast %add3A_240 : i32 to index
          %get3A_265 = arith.constant 48 : index
          %get3A_266 = tpu.vector_load %arg6[%get3A_263, %get3A_264, %get3A_265] {strides = array<i32>} : memref<2x200x64xf32, #tpu.memory_space<vmem>>, vector<1x1x16xf32>,
          %get3A_267 = vector.shape_cast %get3A_266 : vector<1x1x16xf32> to vector<16xf32>
          %add3A_268 = arith.addf %add3A_204, %get3A_267 : vector<16xf32>
          %mul3A_269 = arith.constant 8 : i32
          %mul3A_270 = arith.muli %scan3A_165, %mul3A_269 : i32
          %add3A_271 = arith.constant 3 : i32
          %add3A_272 = arith.addi %mul3A_270, %add3A_271 : i32
          %get3A_273 = arith.constant 0 : i32
          %get3A_274 = arith.index_cast %get3A_273 : i32 to index
          %get3A_275 = arith.index_cast %add3A_272 : i32 to index
          %get3A_276 = arith.constant 0 : index
          %get3A_277 = tpu.vector_load %arg6[%get3A_274, %get3A_275, %get3A_276] {strides = array<i32>} : memref<2x200x64xf32, #tpu.memory_space<vmem>>, vector<1x1x16xf32>,
          %get3A_278 = vector.shape_cast %get3A_277 : vector<1x1x16xf32> to vector<16xf32>
          %add3A_279 = arith.addf %add3A_215, %get3A_278 : vector<16xf32>
          %get3A_280 = arith.constant 0 : i32
          %get3A_281 = arith.index_cast %get3A_280 : i32 to index
          %get3A_282 = arith.index_cast %add3A_272 : i32 to index
          %get3A_283 = arith.constant 16 : index
          %get3A_284 = tpu.vector_load %arg6[%get3A_281, %get3A_282, %get3A_283] {strides = array<i32>} : memref<2x200x64xf32, #tpu.memory_space<vmem>>, vector<1x1x16xf32>,
          %get3A_285 = vector.shape_cast %get3A_284 : vector<1x1x16xf32> to vector<16xf32>
          %add3A_286 = arith.addf %add3A_222, %get3A_285 : vector<16xf32>
          %get3A_287 = arith.constant 0 : i32
          %get3A_288 = arith.index_cast %get3A_287 : i32 to index
          %get3A_289 = arith.index_cast %add3A_272 : i32 to index
          %get3A_290 = arith.constant 32 : index
          %get3A_291 = tpu.vector_load %arg6[%get3A_288, %get3A_289, %get3A_290] {strides = array<i32>} : memref<2x200x64xf32, #tpu.memory_space<vmem>>, vector<1x1x16xf32>,
          %get3A_292 = vector.shape_cast %get3A_291 : vector<1x1x16xf32> to vector<16xf32>
          %add3A_293 = arith.addf %add3A_229, %get3A_292 : vector<16xf32>
          %get3A_294 = arith.constant 0 : i32
          %get3A_295 = arith.index_cast %get3A_294 : i32 to index
          %get3A_296 = arith.index_cast %add3A_272 : i32 to index
          %get3A_297 = arith.constant 48 : index
          %get3A_298 = tpu.vector_load %arg6[%get3A_295, %get3A_296, %get3A_297] {strides = array<i32>} : memref<2x200x64xf32, #tpu.memory_space<vmem>>, vector<1x1x16xf32>,
          %get3A_299 = vector.shape_cast %get3A_298 : vector<1x1x16xf32> to vector<16xf32>
          %add3A_300 = arith.addf %add3A_236, %get3A_299 : vector<16xf32>
          %mul3A_301 = arith.constant 8 : i32
          %mul3A_302 = arith.muli %scan3A_165, %mul3A_301 : i32
          %add3A_303 = arith.constant 4 : i32
          %add3A_304 = arith.addi %mul3A_302, %add3A_303 : i32
          %get3A_305 = arith.constant 0 : i32
          %get3A_306 = arith.index_cast %get3A_305 : i32 to index
          %get3A_307 = arith.index_cast %add3A_304 : i32 to index
          %get3A_308 = arith.constant 0 : index
          %get3A_309 = tpu.vector_load %arg6[%get3A_306, %get3A_307, %get3A_308] {strides = array<i32>} : memref<2x200x64xf32, #tpu.memory_space<vmem>>, vector<1x1x16xf32>,
          %get3A_310 = vector.shape_cast %get3A_309 : vector<1x1x16xf32> to vector<16xf32>
          %add3A_311 = arith.addf %add3A_247, %get3A_310 : vector<16xf32>
          %get3A_312 = arith.constant 0 : i32
          %get3A_313 = arith.index_cast %get3A_312 : i32 to index
          %get3A_314 = arith.index_cast %add3A_304 : i32 to index
          %get3A_315 = arith.constant 16 : index
          %get3A_316 = tpu.vector_load %arg6[%get3A_313, %get3A_314, %get3A_315] {strides = array<i32>} : memref<2x200x64xf32, #tpu.memory_space<vmem>>, vector<1x1x16xf32>,
          %get3A_317 = vector.shape_cast %get3A_316 : vector<1x1x16xf32> to vector<16xf32>
          %add3A_318 = arith.addf %add3A_254, %get3A_317 : vector<16xf32>
          %get3A_319 = arith.constant 0 : i32
          %get3A_320 = arith.index_cast %get3A_319 : i32 to index
          %get3A_321 = arith.index_cast %add3A_304 : i32 to index
          %get3A_322 = arith.constant 32 : index
          %get3A_323 = tpu.vector_load %arg6[%get3A_320, %get3A_321, %get3A_322] {strides = array<i32>} : memref<2x200x64xf32, #tpu.memory_space<vmem>>, vector<1x1x16xf32>,
          %get3A_324 = vector.shape_cast %get3A_323 : vector<1x1x16xf32> to vector<16xf32>
          %add3A_325 = arith.addf %add3A_261, %get3A_324 : vector<16xf32>
          %get3A_326 = arith.constant 0 : i32
          %get3A_327 = arith.index_cast %get3A_326 : i32 to index
          %get3A_328 = arith.index_cast %add3A_304 : i32 to index
          %get3A_329 = arith.constant 48 : index
          %get3A_330 = tpu.vector_load %arg6[%get3A_327, %get3A_328, %get3A_329] {strides = array<i32>} : memref<2x200x64xf32, #tpu.memory_space<vmem>>, vector<1x1x16xf32>,
          %get3A_331 = vector.shape_cast %get3A_330 : vector<1x1x16xf32> to vector<16xf32>
          %add3A_332 = arith.addf %add3A_268, %get3A_331 : vector<16xf32>
          %mul3A_333 = arith.constant 8 : i32
          %mul3A_334 = arith.muli %scan3A_165, %mul3A_333 : i32
          %add3A_335 = arith.constant 5 : i32
          %add3A_336 = arith.addi %mul3A_334, %add3A_335 : i32
          %get3A_337 = arith.constant 0 : i32
          %get3A_338 = arith.index_cast %get3A_337 : i32 to index
          %get3A_339 = arith.index_cast %add3A_336 : i32 to index
          %get3A_340 = arith.constant 0 : index
          %get3A_341 = tpu.vector_load %arg6[%get3A_338, %get3A_339, %get3A_340] {strides = array<i32>} : memref<2x200x64xf32, #tpu.memory_space<vmem>>, vector<1x1x16xf32>,
          %get3A_342 = vector.shape_cast %get3A_341 : vector<1x1x16xf32> to vector<16xf32>
          %add3A_343 = arith.addf %add3A_279, %get3A_342 : vector<16xf32>
          %get3A_344 = arith.constant 0 : i32
          %get3A_345 = arith.index_cast %get3A_344 : i32 to index
          %get3A_346 = arith.index_cast %add3A_336 : i32 to index
          %get3A_347 = arith.constant 16 : index
          %get3A_348 = tpu.vector_load %arg6[%get3A_345, %get3A_346, %get3A_347] {strides = array<i32>} : memref<2x200x64xf32, #tpu.memory_space<vmem>>, vector<1x1x16xf32>,
          %get3A_349 = vector.shape_cast %get3A_348 : vector<1x1x16xf32> to vector<16xf32>
          %add3A_350 = arith.addf %add3A_286, %get3A_349 : vector<16xf32>
          %get3A_351 = arith.constant 0 : i32
          %get3A_352 = arith.index_cast %get3A_351 : i32 to index
          %get3A_353 = arith.index_cast %add3A_336 : i32 to index
          %get3A_354 = arith.constant 32 : index
          %get3A_355 = tpu.vector_load %arg6[%get3A_352, %get3A_353, %get3A_354] {strides = array<i32>} : memref<2x200x64xf32, #tpu.memory_space<vmem>>, vector<1x1x16xf32>,
          %get3A_356 = vector.shape_cast %get3A_355 : vector<1x1x16xf32> to vector<16xf32>
          %add3A_357 = arith.addf %add3A_293, %get3A_356 : vector<16xf32>
          %get3A_358 = arith.constant 0 : i32
          %get3A_359 = arith.index_cast %get3A_358 : i32 to index
          %get3A_360 = arith.index_cast %add3A_336 : i32 to index
          %get3A_361 = arith.constant 48 : index
          %get3A_362 = tpu.vector_load %arg6[%get3A_359, %get3A_360, %get3A_361] {strides = array<i32>} : memref<2x200x64xf32, #tpu.memory_space<vmem>>, vector<1x1x16xf32>,
          %get3A_363 = vector.shape_cast %get3A_362 : vector<1x1x16xf32> to vector<16xf32>
          %add3A_364 = arith.addf %add3A_300, %get3A_363 : vector<16xf32>
          %mul3A_365 = arith.constant 8 : i32
          %mul3A_366 = arith.muli %scan3A_165, %mul3A_365 : i32
          %add3A_367 = arith.constant 6 : i32
          %add3A_368 = arith.addi %mul3A_366, %add3A_367 : i32
          %get3A_369 = arith.constant 0 : i32
          %get3A_370 = arith.index_cast %get3A_369 : i32 to index
          %get3A_371 = arith.index_cast %add3A_368 : i32 to index
          %get3A_372 = arith.constant 0 : index
          %get3A_373 = tpu.vector_load %arg6[%get3A_370, %get3A_371, %get3A_372] {strides = array<i32>} : memref<2x200x64xf32, #tpu.memory_space<vmem>>, vector<1x1x16xf32>,
          %get3A_374 = vector.shape_cast %get3A_373 : vector<1x1x16xf32> to vector<16xf32>
          %add3A_375 = arith.addf %add3A_311, %get3A_374 : vector<16xf32>
          %get3A_376 = arith.constant 0 : i32
          %get3A_377 = arith.index_cast %get3A_376 : i32 to index
          %get3A_378 = arith.index_cast %add3A_368 : i32 to index
          %get3A_379 = arith.constant 16 : index
          %get3A_380 = tpu.vector_load %arg6[%get3A_377, %get3A_378, %get3A_379] {strides = array<i32>} : memref<2x200x64xf32, #tpu.memory_space<vmem>>, vector<1x1x16xf32>,
          %get3A_381 = vector.shape_cast %get3A_380 : vector<1x1x16xf32> to vector<16xf32>
          %add3A_382 = arith.addf %add3A_318, %get3A_381 : vector<16xf32>
          %get3A_383 = arith.constant 0 : i32
          %get3A_384 = arith.index_cast %get3A_383 : i32 to index
          %get3A_385 = arith.index_cast %add3A_368 : i32 to index
          %get3A_386 = arith.constant 32 : index
          %get3A_387 = tpu.vector_load %arg6[%get3A_384, %get3A_385, %get3A_386] {strides = array<i32>} : memref<2x200x64xf32, #tpu.memory_space<vmem>>, vector<1x1x16xf32>,
          %get3A_388 = vector.shape_cast %get3A_387 : vector<1x1x16xf32> to vector<16xf32>
          %add3A_389 = arith.addf %add3A_325, %get3A_388 : vector<16xf32>
          %get3A_390 = arith.constant 0 : i32
          %get3A_391 = arith.index_cast %get3A_390 : i32 to index
          %get3A_392 = arith.index_cast %add3A_368 : i32 to index
          %get3A_393 = arith.constant 48 : index
          %get3A_394 = tpu.vector_load %arg6[%get3A_391, %get3A_392, %get3A_393] {strides = array<i32>} : memref<2x200x64xf32, #tpu.memory_space<vmem>>, vector<1x1x16xf32>,
          %get3A_395 = vector.shape_cast %get3A_394 : vector<1x1x16xf32> to vector<16xf32>
          %add3A_396 = arith.addf %add3A_332, %get3A_395 : vector<16xf32>
          %mul3A_397 = arith.constant 8 : i32
          %mul3A_398 = arith.muli %scan3A_165, %mul3A_397 : i32
          %add3A_399 = arith.constant 7 : i32
          %add3A_400 = arith.addi %mul3A_398, %add3A_399 : i32
          %get3A_401 = arith.constant 0 : i32
          %get3A_402 = arith.index_cast %get3A_401 : i32 to index
          %get3A_403 = arith.index_cast %add3A_400 : i32 to index
          %get3A_404 = arith.constant 0 : index
          %get3A_405 = tpu.vector_load %arg6[%get3A_402, %get3A_403, %get3A_404] {strides = array<i32>} : memref<2x200x64xf32, #tpu.memory_space<vmem>>, vector<1x1x16xf32>,
          %get3A_406 = vector.shape_cast %get3A_405 : vector<1x1x16xf32> to vector<16xf32>
          %add3A_407 = arith.addf %add3A_343, %get3A_406 : vector<16xf32>
          %get3A_408 = arith.constant 0 : i32
          %get3A_409 = arith.index_cast %get3A_408 : i32 to index
          %get3A_410 = arith.index_cast %add3A_400 : i32 to index
          %get3A_411 = arith.constant 16 : index
          %get3A_412 = tpu.vector_load %arg6[%get3A_409, %get3A_410, %get3A_411] {strides = array<i32>} : memref<2x200x64xf32, #tpu.memory_space<vmem>>, vector<1x1x16xf32>,
          %get3A_413 = vector.shape_cast %get3A_412 : vector<1x1x16xf32> to vector<16xf32>
          %add3A_414 = arith.addf %add3A_350, %get3A_413 : vector<16xf32>
          %get3A_415 = arith.constant 0 : i32
          %get3A_416 = arith.index_cast %get3A_415 : i32 to index
          %get3A_417 = arith.index_cast %add3A_400 : i32 to index
          %get3A_418 = arith.constant 32 : index
          %get3A_419 = tpu.vector_load %arg6[%get3A_416, %get3A_417, %get3A_418] {strides = array<i32>} : memref<2x200x64xf32, #tpu.memory_space<vmem>>, vector<1x1x16xf32>,
          %get3A_420 = vector.shape_cast %get3A_419 : vector<1x1x16xf32> to vector<16xf32>
          %add3A_421 = arith.addf %add3A_357, %get3A_420 : vector<16xf32>
          %get3A_422 = arith.constant 0 : i32
          %get3A_423 = arith.index_cast %get3A_422 : i32 to index
          %get3A_424 = arith.index_cast %add3A_400 : i32 to index
          %get3A_425 = arith.constant 48 : index
          %get3A_426 = tpu.vector_load %arg6[%get3A_423, %get3A_424, %get3A_425] {strides = array<i32>} : memref<2x200x64xf32, #tpu.memory_space<vmem>>, vector<1x1x16xf32>,
          %get3A_427 = vector.shape_cast %get3A_426 : vector<1x1x16xf32> to vector<16xf32>
          %add3A_428 = arith.addf %add3A_364, %get3A_427 : vector<16xf32>
          scf.yield %add3A_375, %add3A_407, %add3A_382, %add3A_414, %add3A_389, %add3A_421, %add3A_396, %add3A_428 : vector<16xf32>, vector<16xf32>, vector<16xf32>, vector<16xf32>, vector<16xf32>, vector<16xf32>, vector<16xf32>, vector<16xf32>
        }
        %scan3A_82 = arith.constant 25 : i32
        %add3A_83 = arith.addf %scan3A_81#0, %scan3A_81#1 : vector<16xf32>
        %swap3A = arith.index_cast %add3A_57 : i32 to index
        %swap3A_84 = arith.constant 0 : index
        %swap3A_85 = tpu.vector_load %arg7[%swap3A, %swap3A_84] {strides = array<i32>} : memref<64x64xf32, #tpu.memory_space<vmem>>, vector<1x16xf32>,
        %swap3A_86 = vector.shape_cast %swap3A_85 : vector<1x16xf32> to vector<16xf32>
        %swap3A_87 = vector.shape_cast %add3A_83 : vector<16xf32> to vector<1x16xf32>
        tpu.vector_store %arg7[%swap3A, %swap3A_84], %swap3A_87 {strides = array<i32>} : memref<64x64xf32, #tpu.memory_space<vmem>>, vector<1x16xf32>,
        %add3A_88 = arith.addf %scan3A_81#2, %scan3A_81#3 : vector<16xf32>
        %swap3A_89 = arith.index_cast %add3A_57 : i32 to index
        %swap3A_90 = arith.constant 16 : index
        %swap3A_91 = tpu.vector_load %arg7[%swap3A_89, %swap3A_90] {strides = array<i32>} : memref<64x64xf32, #tpu.memory_space<vmem>>, vector<1x16xf32>,
        %swap3A_92 = vector.shape_cast %swap3A_91 : vector<1x16xf32> to vector<16xf32>
        %swap3A_93 = vector.shape_cast %add3A_88 : vector<16xf32> to vector<1x16xf32>
        tpu.vector_store %arg7[%swap3A_89, %swap3A_90], %swap3A_93 {strides = array<i32>} : memref<64x64xf32, #tpu.memory_space<vmem>>, vector<1x16xf32>,
        %add3A_94 = arith.addf %scan3A_81#4, %scan3A_81#5 : vector<16xf32>
        %swap3A_95 = arith.index_cast %add3A_57 : i32 to index
        %swap3A_96 = arith.constant 32 : index
        %swap3A_97 = tpu.vector_load %arg7[%swap3A_95, %swap3A_96] {strides = array<i32>} : memref<64x64xf32, #tpu.memory_space<vmem>>, vector<1x16xf32>,
        %swap3A_98 = vector.shape_cast %swap3A_97 : vector<1x16xf32> to vector<16xf32>
        %swap3A_99 = vector.shape_cast %add3A_94 : vector<16xf32> to vector<1x16xf32>
        tpu.vector_store %arg7[%swap3A_95, %swap3A_96], %swap3A_99 {strides = array<i32>} : memref<64x64xf32, #tpu.memory_space<vmem>>, vector<1x16xf32>,
        %add3A_100 = arith.addf %scan3A_81#6, %scan3A_81#7 : vector<16xf32>
        %swap3A_101 = arith.index_cast %add3A_57 : i32 to index
        %swap3A_102 = arith.constant 48 : index
        %swap3A_103 = tpu.vector_load %arg7[%swap3A_101, %swap3A_102] {strides = array<i32>} : memref<64x64xf32, #tpu.memory_space<vmem>>, vector<1x16xf32>,
        %swap3A_104 = vector.shape_cast %swap3A_103 : vector<1x16xf32> to vector<16xf32>
        %swap3A_105 = vector.shape_cast %add3A_100 : vector<16xf32> to vector<1x16xf32>
        tpu.vector_store %arg7[%swap3A_101, %swap3A_102], %swap3A_105 {strides = array<i32>} : memref<64x64xf32, #tpu.memory_space<vmem>>, vector<1x16xf32>,
        %mul3A_106 = arith.constant 2 : i32
        %mul3A_107 = arith.muli %scan3A_52, %mul3A_106 : i32
        %add3A_108 = arith.constant 1 : i32
        %add3A_109 = arith.addi %mul3A_107, %add3A_108 : i32
        %add3A_110 = arith.constant 1 : i32
        %add3A_111 = arith.addi %add3A_109, %add3A_110 : i32
        %lt3A_112 = arith.constant 64 : i32
        %lt3A_113 = arith.cmpi slt, %add3A_111, %lt3A_112 : i32
        %convert_element_type3A_114 = arith.extui %lt3A_113 : i1 to i32
        %cond3A_115 = arith.constant 0 : i32
        %cond3A_116 = arith.cmpi ne, %convert_element_type3A_114, %cond3A_115 : i32
        scf.if %cond3A_116 {
          %add3A_165 = arith.constant 1 : i32
          %add3A_166 = arith.addi %add3A_109, %add3A_165 : i32
          %mul3A_167 = arith.constant 200 : i32
          %mul3A_168 = arith.muli %add3A_166, %mul3A_167 : i32
          %multiple_of3A_169 = tpu.assume_multiple %mul3A_168, 8 : i32
          %dma_start3A_170 = arith.constant 0 : i32
          %dma_start3A_171 = arith.constant 0 : i32
          %dma_start3A_172 = arith.constant 0 : i32
          %dma_start3A_173 = tpu.memref_slice %arg6[%dma_start3A_170, %dma_start3A_171, %dma_start3A_172] : memref<2x200x64xf32, #tpu.memory_space<vmem>> -> memref<1x200x64xf32, #tpu.memory_space<vmem>>
          %dma_start3A_174 = tpu.memref_squeeze %dma_start3A_173 : memref<1x200x64xf32, #tpu.memory_space<vmem>> -> memref<200x64xf32, #tpu.memory_space<vmem>>
          %dma_start3A_175 = arith.constant 0 : i32
          %dma_start3A_176 = arith.constant 0 : i32
          %dma_start3A_177 = tpu.memref_slice %dma_start3A_174[%dma_start3A_175, %dma_start3A_176] : memref<200x64xf32, #tpu.memory_space<vmem>> -> memref<128x64xf32, #tpu.memory_space<vmem>>
          %dma_start3A_178 = tpu.memref_slice %arg5[%multiple_of3A_169] : memref<12800xi32, #tpu.memory_space<vmem>> -> memref<128xi32, #tpu.memory_space<vmem>>
          %dma_start3A_179 = arith.constant 0 : i32
          %dma_start3A_180 = arith.constant 0 : i32
          %dma_start3A_181 = tpu.memref_slice %arg3[%dma_start3A_179, %dma_start3A_180] : memref<1001472x64xf32, #tpu.memory_space<hbm>> -> memref<1001472x64xf32, #tpu.memory_space<hbm>>
          tpu.enqueue_indirect_dma source(%dma_start3A_181 : memref<1001472x64xf32, #tpu.memory_space<hbm>>) target(%dma_start3A_177 : memref<128x64xf32, #tpu.memory_space<vmem>>) offsets(%dma_start3A_178 : memref<128xi32, #tpu.memory_space<vmem>>) semaphore(%arg8 : memref<!tpu.dma_semaphore, #tpu.memory_space<semaphore_mem>>)
          %add3A_182 = arith.constant 128 : i32
          %add3A_183 = arith.addi %multiple_of3A_169, %add3A_182 : i32
          %dma_start3A_184 = arith.constant 0 : i32
          %dma_start3A_185 = arith.constant 0 : i32
          %dma_start3A_186 = arith.constant 0 : i32
          %dma_start3A_187 = tpu.memref_slice %arg6[%dma_start3A_184, %dma_start3A_185, %dma_start3A_186] : memref<2x200x64xf32, #tpu.memory_space<vmem>> -> memref<1x200x64xf32, #tpu.memory_space<vmem>>
          %dma_start3A_188 = tpu.memref_squeeze %dma_start3A_187 : memref<1x200x64xf32, #tpu.memory_space<vmem>> -> memref<200x64xf32, #tpu.memory_space<vmem>>
          %dma_start3A_189 = arith.constant 128 : i32
          %dma_start3A_190 = arith.constant 0 : i32
          %dma_start3A_191 = tpu.memref_slice %dma_start3A_188[%dma_start3A_189, %dma_start3A_190] : memref<200x64xf32, #tpu.memory_space<vmem>> -> memref<72x64xf32, #tpu.memory_space<vmem>>
          %dma_start3A_192 = tpu.memref_slice %arg5[%add3A_183] : memref<12800xi32, #tpu.memory_space<vmem>> -> memref<72xi32, #tpu.memory_space<vmem>>
          %dma_start3A_193 = arith.constant 0 : i32
          %dma_start3A_194 = arith.constant 0 : i32
          %dma_start3A_195 = tpu.memref_slice %arg3[%dma_start3A_193, %dma_start3A_194] : memref<1001472x64xf32, #tpu.memory_space<hbm>> -> memref<1001472x64xf32, #tpu.memory_space<hbm>>
          tpu.enqueue_indirect_dma source(%dma_start3A_195 : memref<1001472x64xf32, #tpu.memory_space<hbm>>) target(%dma_start3A_191 : memref<72x64xf32, #tpu.memory_space<vmem>>) offsets(%dma_start3A_192 : memref<72xi32, #tpu.memory_space<vmem>>) semaphore(%arg8 : memref<!tpu.dma_semaphore, #tpu.memory_space<semaphore_mem>>)
        } else {
        }
        %dma_wait3A_117 = arith.constant 1 : i32
        %dma_wait3A_118 = arith.constant 0 : i32
        %dma_wait3A_119 = arith.constant 0 : i32
        %dma_wait3A_120 = tpu.memref_slice %arg6[%dma_wait3A_117, %dma_wait3A_118, %dma_wait3A_119] : memref<2x200x64xf32, #tpu.memory_space<vmem>> -> memref<1x200x64xf32, #tpu.memory_space<vmem>>
        %dma_wait3A_121 = tpu.memref_squeeze %dma_wait3A_120 : memref<1x200x64xf32, #tpu.memory_space<vmem>> -> memref<200x64xf32, #tpu.memory_space<vmem>>
        %dma_wait3A_122 = arith.constant 0 : i32
        %dma_wait3A_123 = arith.constant 0 : i32
        %dma_wait3A_124 = tpu.memref_slice %arg3[%dma_wait3A_122, %dma_wait3A_123] : memref<1001472x64xf32, #tpu.memory_space<hbm>> -> memref<200x64xf32, #tpu.memory_space<hbm>>
        %dma_wait3A_125 = arith.constant 0 : i32
        %dma_wait3A_126 = arith.constant 0 : i32
        %dma_wait3A_127 = tpu.memref_slice %arg6[%dma_wait3A_117, %dma_wait3A_125, %dma_wait3A_126] : memref<2x200x64xf32, #tpu.memory_space<vmem>> -> memref<1x200x64xf32, #tpu.memory_space<vmem>>
        %dma_wait3A_128 = tpu.memref_squeeze %dma_wait3A_127 : memref<1x200x64xf32, #tpu.memory_space<vmem>> -> memref<200x64xf32, #tpu.memory_space<vmem>>
        %dma_wait3A_129 = arith.constant 0 : i32
        %dma_wait3A_130 = arith.constant 0 : i32
        %dma_wait3A_131 = tpu.memref_slice %arg3[%dma_wait3A_129, %dma_wait3A_130] : memref<1001472x64xf32, #tpu.memory_space<hbm>> -> memref<200x64xf32, #tpu.memory_space<hbm>>
        tpu.wait_dma2 semaphore(%arg9 : memref<!tpu.dma_semaphore, #tpu.memory_space<semaphore_mem>>) src(%dma_wait3A_131 : memref<200x64xf32, #tpu.memory_space<hbm>>) dst(%dma_wait3A_128 : memref<200x64xf32, #tpu.memory_space<vmem>>)
        %broadcast_in_dim3A_132 = arith.constant 0.000000e+00 : f32
        %broadcast_in_dim3A_133 = vector.broadcast %broadcast_in_dim3A_132 : f32 to vector<16xf32>
        %scan3A_134 = arith.constant 0 : i32
        %scan3A_135 = arith.constant 25 : i32
        %scan3A_136 = arith.addi %scan3A_134, %scan3A_135 : i32
        %scan3A_137 = arith.constant 1 : i32
        %scan3A_138:8 = scf.for %scan3A_165 = %scan3A_134 to %scan3A_136 step %scan3A_137 iter_args(%scan3A_166 = %broadcast_in_dim3A_133, %scan3A_167 = %broadcast_in_dim3A_133, %scan3A_168 = %broadcast_in_dim3A_133, %scan3A_169 = %broadcast_in_dim3A_133, %scan3A_170 = %broadcast_in_dim3A_133, %scan3A_171 = %broadcast_in_dim3A_133, %scan3A_172 = %broadcast_in_dim3A_133, %scan3A_173 = %broadcast_in_dim3A_133) -> (vector<16xf32>, vector<16xf32>, vector<16xf32>, vector<16xf32>, vector<16xf32>, vector<16xf32>, vector<16xf32>, vector<16xf32>)  : i32 {
          %mul3A_174 = arith.constant 8 : i32
          %mul3A_175 = arith.muli %scan3A_165, %mul3A_174 : i32
          %add3A_176 = arith.constant 0 : i32
          %add3A_177 = arith.addi %mul3A_175, %add3A_176 : i32
          %get3A = arith.constant 1 : i32
          %get3A_178 = arith.index_cast %get3A : i32 to index
          %get3A_179 = arith.index_cast %add3A_177 : i32 to index
          %get3A_180 = arith.constant 0 : index
          %get3A_181 = tpu.vector_load %arg6[%get3A_178, %get3A_179, %get3A_180] {strides = array<i32>} : memref<2x200x64xf32, #tpu.memory_space<vmem>>, vector<1x1x16xf32>,
          %get3A_182 = vector.shape_cast %get3A_181 : vector<1x1x16xf32> to vector<16xf32>
          %add3A_183 = arith.addf %scan3A_166, %get3A_182 : vector<16xf32>
          %get3A_184 = arith.constant 1 : i32
          %get3A_185 = arith.index_cast %get3A_184 : i32 to index
          %get3A_186 = arith.index_cast %add3A_177 : i32 to index
          %get3A_187 = arith.constant 16 : index
          %get3A_188 = tpu.vector_load %arg6[%get3A_185, %get3A_186, %get3A_187] {strides = array<i32>} : memref<2x200x64xf32, #tpu.memory_space<vmem>>, vector<1x1x16xf32>,
          %get3A_189 = vector.shape_cast %get3A_188 : vector<1x1x16xf32> to vector<16xf32>
          %add3A_190 = arith.addf %scan3A_168, %get3A_189 : vector<16xf32>
          %get3A_191 = arith.constant 1 : i32
          %get3A_192 = arith.index_cast %get3A_191 : i32 to index
          %get3A_193 = arith.index_cast %add3A_177 : i32 to index
          %get3A_194 = arith.constant 32 : index
          %get3A_195 = tpu.vector_load %arg6[%get3A_192, %get3A_193, %get3A_194] {strides = array<i32>} : memref<2x200x64xf32, #tpu.memory_space<vmem>>, vector<1x1x16xf32>,
          %get3A_196 = vector.shape_cast %get3A_195 : vector<1x1x16xf32> to vector<16xf32>
          %add3A_197 = arith.addf %scan3A_170, %get3A_196 : vector<16xf32>
          %get3A_198 = arith.constant 1 : i32
          %get3A_199 = arith.index_cast %get3A_198 : i32 to index
          %get3A_200 = arith.index_cast %add3A_177 : i32 to index
          %get3A_201 = arith.constant 48 : index
          %get3A_202 = tpu.vector_load %arg6[%get3A_199, %get3A_200, %get3A_201] {strides = array<i32>} : memref<2x200x64xf32, #tpu.memory_space<vmem>>, vector<1x1x16xf32>,
          %get3A_203 = vector.shape_cast %get3A_202 : vector<1x1x16xf32> to vector<16xf32>
          %add3A_204 = arith.addf %scan3A_172, %get3A_203 : vector<16xf32>
          %mul3A_205 = arith.constant 8 : i32
          %mul3A_206 = arith.muli %scan3A_165, %mul3A_205 : i32
          %add3A_207 = arith.constant 1 : i32
          %add3A_208 = arith.addi %mul3A_206, %add3A_207 : i32
          %get3A_209 = arith.constant 1 : i32
          %get3A_210 = arith.index_cast %get3A_209 : i32 to index
          %get3A_211 = arith.index_cast %add3A_208 : i32 to index
          %get3A_212 = arith.constant 0 : index
          %get3A_213 = tpu.vector_load %arg6[%get3A_210, %get3A_211, %get3A_212] {strides = array<i32>} : memref<2x200x64xf32, #tpu.memory_space<vmem>>, vector<1x1x16xf32>,
          %get3A_214 = vector.shape_cast %get3A_213 : vector<1x1x16xf32> to vector<16xf32>
          %add3A_215 = arith.addf %scan3A_167, %get3A_214 : vector<16xf32>
          %get3A_216 = arith.constant 1 : i32
          %get3A_217 = arith.index_cast %get3A_216 : i32 to index
          %get3A_218 = arith.index_cast %add3A_208 : i32 to index
          %get3A_219 = arith.constant 16 : index
          %get3A_220 = tpu.vector_load %arg6[%get3A_217, %get3A_218, %get3A_219] {strides = array<i32>} : memref<2x200x64xf32, #tpu.memory_space<vmem>>, vector<1x1x16xf32>,
          %get3A_221 = vector.shape_cast %get3A_220 : vector<1x1x16xf32> to vector<16xf32>
          %add3A_222 = arith.addf %scan3A_169, %get3A_221 : vector<16xf32>
          %get3A_223 = arith.constant 1 : i32
          %get3A_224 = arith.index_cast %get3A_223 : i32 to index
          %get3A_225 = arith.index_cast %add3A_208 : i32 to index
          %get3A_226 = arith.constant 32 : index
          %get3A_227 = tpu.vector_load %arg6[%get3A_224, %get3A_225, %get3A_226] {strides = array<i32>} : memref<2x200x64xf32, #tpu.memory_space<vmem>>, vector<1x1x16xf32>,
          %get3A_228 = vector.shape_cast %get3A_227 : vector<1x1x16xf32> to vector<16xf32>
          %add3A_229 = arith.addf %scan3A_171, %get3A_228 : vector<16xf32>
          %get3A_230 = arith.constant 1 : i32
          %get3A_231 = arith.index_cast %get3A_230 : i32 to index
          %get3A_232 = arith.index_cast %add3A_208 : i32 to index
          %get3A_233 = arith.constant 48 : index
          %get3A_234 = tpu.vector_load %arg6[%get3A_231, %get3A_232, %get3A_233] {strides = array<i32>} : memref<2x200x64xf32, #tpu.memory_space<vmem>>, vector<1x1x16xf32>,
          %get3A_235 = vector.shape_cast %get3A_234 : vector<1x1x16xf32> to vector<16xf32>
          %add3A_236 = arith.addf %scan3A_173, %get3A_235 : vector<16xf32>
          %mul3A_237 = arith.constant 8 : i32
          %mul3A_238 = arith.muli %scan3A_165, %mul3A_237 : i32
          %add3A_239 = arith.constant 2 : i32
          %add3A_240 = arith.addi %mul3A_238, %add3A_239 : i32
          %get3A_241 = arith.constant 1 : i32
          %get3A_242 = arith.index_cast %get3A_241 : i32 to index
          %get3A_243 = arith.index_cast %add3A_240 : i32 to index
          %get3A_244 = arith.constant 0 : index
          %get3A_245 = tpu.vector_load %arg6[%get3A_242, %get3A_243, %get3A_244] {strides = array<i32>} : memref<2x200x64xf32, #tpu.memory_space<vmem>>, vector<1x1x16xf32>,
          %get3A_246 = vector.shape_cast %get3A_245 : vector<1x1x16xf32> to vector<16xf32>
          %add3A_247 = arith.addf %add3A_183, %get3A_246 : vector<16xf32>
          %get3A_248 = arith.constant 1 : i32
          %get3A_249 = arith.index_cast %get3A_248 : i32 to index
          %get3A_250 = arith.index_cast %add3A_240 : i32 to index
          %get3A_251 = arith.constant 16 : index
          %get3A_252 = tpu.vector_load %arg6[%get3A_249, %get3A_250, %get3A_251] {strides = array<i32>} : memref<2x200x64xf32, #tpu.memory_space<vmem>>, vector<1x1x16xf32>,
          %get3A_253 = vector.shape_cast %get3A_252 : vector<1x1x16xf32> to vector<16xf32>
          %add3A_254 = arith.addf %add3A_190, %get3A_253 : vector<16xf32>
          %get3A_255 = arith.constant 1 : i32
          %get3A_256 = arith.index_cast %get3A_255 : i32 to index
          %get3A_257 = arith.index_cast %add3A_240 : i32 to index
          %get3A_258 = arith.constant 32 : index
          %get3A_259 = tpu.vector_load %arg6[%get3A_256, %get3A_257, %get3A_258] {strides = array<i32>} : memref<2x200x64xf32, #tpu.memory_space<vmem>>, vector<1x1x16xf32>,
          %get3A_260 = vector.shape_cast %get3A_259 : vector<1x1x16xf32> to vector<16xf32>
          %add3A_261 = arith.addf %add3A_197, %get3A_260 : vector<16xf32>
          %get3A_262 = arith.constant 1 : i32
          %get3A_263 = arith.index_cast %get3A_262 : i32 to index
          %get3A_264 = arith.index_cast %add3A_240 : i32 to index
          %get3A_265 = arith.constant 48 : index
          %get3A_266 = tpu.vector_load %arg6[%get3A_263, %get3A_264, %get3A_265] {strides = array<i32>} : memref<2x200x64xf32, #tpu.memory_space<vmem>>, vector<1x1x16xf32>,
          %get3A_267 = vector.shape_cast %get3A_266 : vector<1x1x16xf32> to vector<16xf32>
          %add3A_268 = arith.addf %add3A_204, %get3A_267 : vector<16xf32>
          %mul3A_269 = arith.constant 8 : i32
          %mul3A_270 = arith.muli %scan3A_165, %mul3A_269 : i32
          %add3A_271 = arith.constant 3 : i32
          %add3A_272 = arith.addi %mul3A_270, %add3A_271 : i32
          %get3A_273 = arith.constant 1 : i32
          %get3A_274 = arith.index_cast %get3A_273 : i32 to index
          %get3A_275 = arith.index_cast %add3A_272 : i32 to index
          %get3A_276 = arith.constant 0 : index
          %get3A_277 = tpu.vector_load %arg6[%get3A_274, %get3A_275, %get3A_276] {strides = array<i32>} : memref<2x200x64xf32, #tpu.memory_space<vmem>>, vector<1x1x16xf32>,
          %get3A_278 = vector.shape_cast %get3A_277 : vector<1x1x16xf32> to vector<16xf32>
          %add3A_279 = arith.addf %add3A_215, %get3A_278 : vector<16xf32>
          %get3A_280 = arith.constant 1 : i32
          %get3A_281 = arith.index_cast %get3A_280 : i32 to index
          %get3A_282 = arith.index_cast %add3A_272 : i32 to index
          %get3A_283 = arith.constant 16 : index
          %get3A_284 = tpu.vector_load %arg6[%get3A_281, %get3A_282, %get3A_283] {strides = array<i32>} : memref<2x200x64xf32, #tpu.memory_space<vmem>>, vector<1x1x16xf32>,
          %get3A_285 = vector.shape_cast %get3A_284 : vector<1x1x16xf32> to vector<16xf32>
          %add3A_286 = arith.addf %add3A_222, %get3A_285 : vector<16xf32>
          %get3A_287 = arith.constant 1 : i32
          %get3A_288 = arith.index_cast %get3A_287 : i32 to index
          %get3A_289 = arith.index_cast %add3A_272 : i32 to index
          %get3A_290 = arith.constant 32 : index
          %get3A_291 = tpu.vector_load %arg6[%get3A_288, %get3A_289, %get3A_290] {strides = array<i32>} : memref<2x200x64xf32, #tpu.memory_space<vmem>>, vector<1x1x16xf32>,
          %get3A_292 = vector.shape_cast %get3A_291 : vector<1x1x16xf32> to vector<16xf32>
          %add3A_293 = arith.addf %add3A_229, %get3A_292 : vector<16xf32>
          %get3A_294 = arith.constant 1 : i32
          %get3A_295 = arith.index_cast %get3A_294 : i32 to index
          %get3A_296 = arith.index_cast %add3A_272 : i32 to index
          %get3A_297 = arith.constant 48 : index
          %get3A_298 = tpu.vector_load %arg6[%get3A_295, %get3A_296, %get3A_297] {strides = array<i32>} : memref<2x200x64xf32, #tpu.memory_space<vmem>>, vector<1x1x16xf32>,
          %get3A_299 = vector.shape_cast %get3A_298 : vector<1x1x16xf32> to vector<16xf32>
          %add3A_300 = arith.addf %add3A_236, %get3A_299 : vector<16xf32>
          %mul3A_301 = arith.constant 8 : i32
          %mul3A_302 = arith.muli %scan3A_165, %mul3A_301 : i32
          %add3A_303 = arith.constant 4 : i32
          %add3A_304 = arith.addi %mul3A_302, %add3A_303 : i32
          %get3A_305 = arith.constant 1 : i32
          %get3A_306 = arith.index_cast %get3A_305 : i32 to index
          %get3A_307 = arith.index_cast %add3A_304 : i32 to index
          %get3A_308 = arith.constant 0 : index
          %get3A_309 = tpu.vector_load %arg6[%get3A_306, %get3A_307, %get3A_308] {strides = array<i32>} : memref<2x200x64xf32, #tpu.memory_space<vmem>>, vector<1x1x16xf32>,
          %get3A_310 = vector.shape_cast %get3A_309 : vector<1x1x16xf32> to vector<16xf32>
          %add3A_311 = arith.addf %add3A_247, %get3A_310 : vector<16xf32>
          %get3A_312 = arith.constant 1 : i32
          %get3A_313 = arith.index_cast %get3A_312 : i32 to index
          %get3A_314 = arith.index_cast %add3A_304 : i32 to index
          %get3A_315 = arith.constant 16 : index
          %get3A_316 = tpu.vector_load %arg6[%get3A_313, %get3A_314, %get3A_315] {strides = array<i32>} : memref<2x200x64xf32, #tpu.memory_space<vmem>>, vector<1x1x16xf32>,
          %get3A_317 = vector.shape_cast %get3A_316 : vector<1x1x16xf32> to vector<16xf32>
          %add3A_318 = arith.addf %add3A_254, %get3A_317 : vector<16xf32>
          %get3A_319 = arith.constant 1 : i32
          %get3A_320 = arith.index_cast %get3A_319 : i32 to index
          %get3A_321 = arith.index_cast %add3A_304 : i32 to index
          %get3A_322 = arith.constant 32 : index
          %get3A_323 = tpu.vector_load %arg6[%get3A_320, %get3A_321, %get3A_322] {strides = array<i32>} : memref<2x200x64xf32, #tpu.memory_space<vmem>>, vector<1x1x16xf32>,
          %get3A_324 = vector.shape_cast %get3A_323 : vector<1x1x16xf32> to vector<16xf32>
          %add3A_325 = arith.addf %add3A_261, %get3A_324 : vector<16xf32>
          %get3A_326 = arith.constant 1 : i32
          %get3A_327 = arith.index_cast %get3A_326 : i32 to index
          %get3A_328 = arith.index_cast %add3A_304 : i32 to index
          %get3A_329 = arith.constant 48 : index
          %get3A_330 = tpu.vector_load %arg6[%get3A_327, %get3A_328, %get3A_329] {strides = array<i32>} : memref<2x200x64xf32, #tpu.memory_space<vmem>>, vector<1x1x16xf32>,
          %get3A_331 = vector.shape_cast %get3A_330 : vector<1x1x16xf32> to vector<16xf32>
          %add3A_332 = arith.addf %add3A_268, %get3A_331 : vector<16xf32>
          %mul3A_333 = arith.constant 8 : i32
          %mul3A_334 = arith.muli %scan3A_165, %mul3A_333 : i32
          %add3A_335 = arith.constant 5 : i32
          %add3A_336 = arith.addi %mul3A_334, %add3A_335 : i32
          %get3A_337 = arith.constant 1 : i32
          %get3A_338 = arith.index_cast %get3A_337 : i32 to index
          %get3A_339 = arith.index_cast %add3A_336 : i32 to index
          %get3A_340 = arith.constant 0 : index
          %get3A_341 = tpu.vector_load %arg6[%get3A_338, %get3A_339, %get3A_340] {strides = array<i32>} : memref<2x200x64xf32, #tpu.memory_space<vmem>>, vector<1x1x16xf32>,
          %get3A_342 = vector.shape_cast %get3A_341 : vector<1x1x16xf32> to vector<16xf32>
          %add3A_343 = arith.addf %add3A_279, %get3A_342 : vector<16xf32>
          %get3A_344 = arith.constant 1 : i32
          %get3A_345 = arith.index_cast %get3A_344 : i32 to index
          %get3A_346 = arith.index_cast %add3A_336 : i32 to index
          %get3A_347 = arith.constant 16 : index
          %get3A_348 = tpu.vector_load %arg6[%get3A_345, %get3A_346, %get3A_347] {strides = array<i32>} : memref<2x200x64xf32, #tpu.memory_space<vmem>>, vector<1x1x16xf32>,
          %get3A_349 = vector.shape_cast %get3A_348 : vector<1x1x16xf32> to vector<16xf32>
          %add3A_350 = arith.addf %add3A_286, %get3A_349 : vector<16xf32>
          %get3A_351 = arith.constant 1 : i32
          %get3A_352 = arith.index_cast %get3A_351 : i32 to index
          %get3A_353 = arith.index_cast %add3A_336 : i32 to index
          %get3A_354 = arith.constant 32 : index
          %get3A_355 = tpu.vector_load %arg6[%get3A_352, %get3A_353, %get3A_354] {strides = array<i32>} : memref<2x200x64xf32, #tpu.memory_space<vmem>>, vector<1x1x16xf32>,
          %get3A_356 = vector.shape_cast %get3A_355 : vector<1x1x16xf32> to vector<16xf32>
          %add3A_357 = arith.addf %add3A_293, %get3A_356 : vector<16xf32>
          %get3A_358 = arith.constant 1 : i32
          %get3A_359 = arith.index_cast %get3A_358 : i32 to index
          %get3A_360 = arith.index_cast %add3A_336 : i32 to index
          %get3A_361 = arith.constant 48 : index
          %get3A_362 = tpu.vector_load %arg6[%get3A_359, %get3A_360, %get3A_361] {strides = array<i32>} : memref<2x200x64xf32, #tpu.memory_space<vmem>>, vector<1x1x16xf32>,
          %get3A_363 = vector.shape_cast %get3A_362 : vector<1x1x16xf32> to vector<16xf32>
          %add3A_364 = arith.addf %add3A_300, %get3A_363 : vector<16xf32>
          %mul3A_365 = arith.constant 8 : i32
          %mul3A_366 = arith.muli %scan3A_165, %mul3A_365 : i32
          %add3A_367 = arith.constant 6 : i32
          %add3A_368 = arith.addi %mul3A_366, %add3A_367 : i32
          %get3A_369 = arith.constant 1 : i32
          %get3A_370 = arith.index_cast %get3A_369 : i32 to index
          %get3A_371 = arith.index_cast %add3A_368 : i32 to index
          %get3A_372 = arith.constant 0 : index
          %get3A_373 = tpu.vector_load %arg6[%get3A_370, %get3A_371, %get3A_372] {strides = array<i32>} : memref<2x200x64xf32, #tpu.memory_space<vmem>>, vector<1x1x16xf32>,
          %get3A_374 = vector.shape_cast %get3A_373 : vector<1x1x16xf32> to vector<16xf32>
          %add3A_375 = arith.addf %add3A_311, %get3A_374 : vector<16xf32>
          %get3A_376 = arith.constant 1 : i32
          %get3A_377 = arith.index_cast %get3A_376 : i32 to index
          %get3A_378 = arith.index_cast %add3A_368 : i32 to index
          %get3A_379 = arith.constant 16 : index
          %get3A_380 = tpu.vector_load %arg6[%get3A_377, %get3A_378, %get3A_379] {strides = array<i32>} : memref<2x200x64xf32, #tpu.memory_space<vmem>>, vector<1x1x16xf32>,
          %get3A_381 = vector.shape_cast %get3A_380 : vector<1x1x16xf32> to vector<16xf32>
          %add3A_382 = arith.addf %add3A_318, %get3A_381 : vector<16xf32>
          %get3A_383 = arith.constant 1 : i32
          %get3A_384 = arith.index_cast %get3A_383 : i32 to index
          %get3A_385 = arith.index_cast %add3A_368 : i32 to index
          %get3A_386 = arith.constant 32 : index
          %get3A_387 = tpu.vector_load %arg6[%get3A_384, %get3A_385, %get3A_386] {strides = array<i32>} : memref<2x200x64xf32, #tpu.memory_space<vmem>>, vector<1x1x16xf32>,
          %get3A_388 = vector.shape_cast %get3A_387 : vector<1x1x16xf32> to vector<16xf32>
          %add3A_389 = arith.addf %add3A_325, %get3A_388 : vector<16xf32>
          %get3A_390 = arith.constant 1 : i32
          %get3A_391 = arith.index_cast %get3A_390 : i32 to index
          %get3A_392 = arith.index_cast %add3A_368 : i32 to index
          %get3A_393 = arith.constant 48 : index
          %get3A_394 = tpu.vector_load %arg6[%get3A_391, %get3A_392, %get3A_393] {strides = array<i32>} : memref<2x200x64xf32, #tpu.memory_space<vmem>>, vector<1x1x16xf32>,
          %get3A_395 = vector.shape_cast %get3A_394 : vector<1x1x16xf32> to vector<16xf32>
          %add3A_396 = arith.addf %add3A_332, %get3A_395 : vector<16xf32>
          %mul3A_397 = arith.constant 8 : i32
          %mul3A_398 = arith.muli %scan3A_165, %mul3A_397 : i32
          %add3A_399 = arith.constant 7 : i32
          %add3A_400 = arith.addi %mul3A_398, %add3A_399 : i32
          %get3A_401 = arith.constant 1 : i32
          %get3A_402 = arith.index_cast %get3A_401 : i32 to index
          %get3A_403 = arith.index_cast %add3A_400 : i32 to index
          %get3A_404 = arith.constant 0 : index
          %get3A_405 = tpu.vector_load %arg6[%get3A_402, %get3A_403, %get3A_404] {strides = array<i32>} : memref<2x200x64xf32, #tpu.memory_space<vmem>>, vector<1x1x16xf32>,
          %get3A_406 = vector.shape_cast %get3A_405 : vector<1x1x16xf32> to vector<16xf32>
          %add3A_407 = arith.addf %add3A_343, %get3A_406 : vector<16xf32>
          %get3A_408 = arith.constant 1 : i32
          %get3A_409 = arith.index_cast %get3A_408 : i32 to index
          %get3A_410 = arith.index_cast %add3A_400 : i32 to index
          %get3A_411 = arith.constant 16 : index
          %get3A_412 = tpu.vector_load %arg6[%get3A_409, %get3A_410, %get3A_411] {strides = array<i32>} : memref<2x200x64xf32, #tpu.memory_space<vmem>>, vector<1x1x16xf32>,
          %get3A_413 = vector.shape_cast %get3A_412 : vector<1x1x16xf32> to vector<16xf32>
          %add3A_414 = arith.addf %add3A_350, %get3A_413 : vector<16xf32>
          %get3A_415 = arith.constant 1 : i32
          %get3A_416 = arith.index_cast %get3A_415 : i32 to index
          %get3A_417 = arith.index_cast %add3A_400 : i32 to index
          %get3A_418 = arith.constant 32 : index
          %get3A_419 = tpu.vector_load %arg6[%get3A_416, %get3A_417, %get3A_418] {strides = array<i32>} : memref<2x200x64xf32, #tpu.memory_space<vmem>>, vector<1x1x16xf32>,
          %get3A_420 = vector.shape_cast %get3A_419 : vector<1x1x16xf32> to vector<16xf32>
          %add3A_421 = arith.addf %add3A_357, %get3A_420 : vector<16xf32>
          %get3A_422 = arith.constant 1 : i32
          %get3A_423 = arith.index_cast %get3A_422 : i32 to index
          %get3A_424 = arith.index_cast %add3A_400 : i32 to index
          %get3A_425 = arith.constant 48 : index
          %get3A_426 = tpu.vector_load %arg6[%get3A_423, %get3A_424, %get3A_425] {strides = array<i32>} : memref<2x200x64xf32, #tpu.memory_space<vmem>>, vector<1x1x16xf32>,
          %get3A_427 = vector.shape_cast %get3A_426 : vector<1x1x16xf32> to vector<16xf32>
          %add3A_428 = arith.addf %add3A_364, %get3A_427 : vector<16xf32>
          scf.yield %add3A_375, %add3A_407, %add3A_382, %add3A_414, %add3A_389, %add3A_421, %add3A_396, %add3A_428 : vector<16xf32>, vector<16xf32>, vector<16xf32>, vector<16xf32>, vector<16xf32>, vector<16xf32>, vector<16xf32>, vector<16xf32>
        }
        %scan3A_139 = arith.constant 25 : i32
        %add3A_140 = arith.addf %scan3A_138#0, %scan3A_138#1 : vector<16xf32>
        %swap3A_141 = arith.index_cast %add3A_109 : i32 to index
        %swap3A_142 = arith.constant 0 : index
        %swap3A_143 = tpu.vector_load %arg7[%swap3A_141, %swap3A_142] {strides = array<i32>} : memref<64x64xf32, #tpu.memory_space<vmem>>, vector<1x16xf32>,
        %swap3A_144 = vector.shape_cast %swap3A_143 : vector<1x16xf32> to vector<16xf32>
        %swap3A_145 = vector.shape_cast %add3A_140 : vector<16xf32> to vector<1x16xf32>
        tpu.vector_store %arg7[%swap3A_141, %swap3A_142], %swap3A_145 {strides = array<i32>} : memref<64x64xf32, #tpu.memory_space<vmem>>, vector<1x16xf32>,
        %add3A_146 = arith.addf %scan3A_138#2, %scan3A_138#3 : vector<16xf32>
        %swap3A_147 = arith.index_cast %add3A_109 : i32 to index
        %swap3A_148 = arith.constant 16 : index
        %swap3A_149 = tpu.vector_load %arg7[%swap3A_147, %swap3A_148] {strides = array<i32>} : memref<64x64xf32, #tpu.memory_space<vmem>>, vector<1x16xf32>,
        %swap3A_150 = vector.shape_cast %swap3A_149 : vector<1x16xf32> to vector<16xf32>
        %swap3A_151 = vector.shape_cast %add3A_146 : vector<16xf32> to vector<1x16xf32>
        tpu.vector_store %arg7[%swap3A_147, %swap3A_148], %swap3A_151 {strides = array<i32>} : memref<64x64xf32, #tpu.memory_space<vmem>>, vector<1x16xf32>,
        %add3A_152 = arith.addf %scan3A_138#4, %scan3A_138#5 : vector<16xf32>
        %swap3A_153 = arith.index_cast %add3A_109 : i32 to index
        %swap3A_154 = arith.constant 32 : index
        %swap3A_155 = tpu.vector_load %arg7[%swap3A_153, %swap3A_154] {strides = array<i32>} : memref<64x64xf32, #tpu.memory_space<vmem>>, vector<1x16xf32>,
        %swap3A_156 = vector.shape_cast %swap3A_155 : vector<1x16xf32> to vector<16xf32>
        %swap3A_157 = vector.shape_cast %add3A_152 : vector<16xf32> to vector<1x16xf32>
        tpu.vector_store %arg7[%swap3A_153, %swap3A_154], %swap3A_157 {strides = array<i32>} : memref<64x64xf32, #tpu.memory_space<vmem>>, vector<1x16xf32>,
        %add3A_158 = arith.addf %scan3A_138#6, %scan3A_138#7 : vector<16xf32>
        %swap3A_159 = arith.index_cast %add3A_109 : i32 to index
        %swap3A_160 = arith.constant 48 : index
        %swap3A_161 = tpu.vector_load %arg7[%swap3A_159, %swap3A_160] {strides = array<i32>} : memref<64x64xf32, #tpu.memory_space<vmem>>, vector<1x16xf32>,
        %swap3A_162 = vector.shape_cast %swap3A_161 : vector<1x16xf32> to vector<16xf32>
        %swap3A_163 = vector.shape_cast %add3A_158 : vector<16xf32> to vector<1x16xf32>
        tpu.vector_store %arg7[%swap3A_159, %swap3A_160], %swap3A_163 {strides = array<i32>} : memref<64x64xf32, #tpu.memory_space<vmem>>, vector<1x16xf32>,
        %scan3A_164 = arith.constant 0 : i32
        scf.yield %scan3A_164 : i32
      }
      %scan3A_50 = arith.constant 32 : i32
      "tpu.region"() ({
        %run_scoped3A = tpu.sem_alloc : memref<!tpu.dma_semaphore, #tpu.memory_space<semaphore_mem>>
        %dma_start3A_52 = arith.constant 0 : i32
        %dma_start3A_53 = tpu.memref_slice %arg4[%multiple_of3A, %dma_start3A_52] : memref<16384x64xf32, #tpu.memory_space<hbm>> -> memref<64x64xf32, #tpu.memory_space<hbm>>
        %dma_start3A_54 = arith.constant 0 : i32
        %dma_start3A_55 = tpu.memref_slice %arg4[%multiple_of3A, %dma_start3A_54] : memref<16384x64xf32, #tpu.memory_space<hbm>> -> memref<64x64xf32, #tpu.memory_space<hbm>>
        tpu.enqueue_dma source(%arg7 : memref<64x64xf32, #tpu.memory_space<vmem>>) target(%dma_start3A_55 : memref<64x64xf32, #tpu.memory_space<hbm>>) target_semaphore(%run_scoped3A : memref<!tpu.dma_semaphore, #tpu.memory_space<semaphore_mem>>)
        %dma_wait3A = arith.constant 0 : i32
        %dma_wait3A_56 = tpu.memref_slice %arg4[%multiple_of3A, %dma_wait3A] : memref<16384x64xf32, #tpu.memory_space<hbm>> -> memref<64x64xf32, #tpu.memory_space<hbm>>
        %dma_wait3A_57 = arith.constant 0 : i32
        %dma_wait3A_58 = tpu.memref_slice %arg4[%multiple_of3A, %dma_wait3A_57] : memref<16384x64xf32, #tpu.memory_space<hbm>> -> memref<64x64xf32, #tpu.memory_space<hbm>>
        tpu.wait_dma2 semaphore(%run_scoped3A : memref<!tpu.dma_semaphore, #tpu.memory_space<semaphore_mem>>) src(%arg7 : memref<64x64xf32, #tpu.memory_space<vmem>>) dst(%dma_wait3A_58 : memref<64x64xf32, #tpu.memory_space<hbm>>)
        tpu.yield
      }) : () -> ()
      %scan3A_51 = arith.constant 0 : i32
      scf.yield %scan3A_51 : i32
    }
    %scan3A_6 = arith.constant 8 : i32
    return
  }
}

module attributes {stable_mosaic.version = 14 : i64} {
  func.func @_tr_body(%arg0: i32, %arg1: memref<64x2048xf32, #tpu.memory_space<vmem>>, %arg2: memref<1024x128xf32, #tpu.memory_space<vmem>>) attributes {dimension_semantics = [#tpu.dimension_semantics<arbitrary>], iteration_bounds = array<i64: 489>, scalar_prefetch = 0 : i64, scratch_operands = 0 : i64, tpu.core_type = #tpu.core_type<tc>, window_params = [{transform_indices = @transform_0, window_bounds = array<i64: 64, 2048>}, {transform_indices = @transform_1, window_bounds = array<i64: 1024, 128>}]} {
    %get3A = arith.constant 0 : index
    %get3A_0 = arith.constant 0 : index
    %get3A_1 = vector.load %arg1[%get3A, %get3A_0] : memref<64x2048xf32, #tpu.memory_space<vmem>>, vector<64x1024xf32>
    %get3A_2 = arith.constant 0 : index
    %get3A_3 = arith.constant 1024 : index
    %get3A_4 = vector.load %arg1[%get3A_2, %get3A_3] : memref<64x2048xf32, #tpu.memory_space<vmem>>, vector<64x1024xf32>
    %concatenate3A = tpu.concatenate %get3A_1, %get3A_4 in 0 : vector<64x1024xf32>, vector<64x1024xf32> -> vector<128x1024xf32>
    %transpose3A = tpu.transpose %concatenate3A, [1, 0] : vector<128x1024xf32> -> vector<1024x128xf32>
    %swap3A = arith.constant 0 : index
    %swap3A_5 = arith.constant 0 : index
    %swap3A_6 = vector.load %arg2[%swap3A, %swap3A_5] : memref<1024x128xf32, #tpu.memory_space<vmem>>, vector<1024x128xf32>
    tpu.vector_store %arg2[%swap3A, %swap3A_5], %transpose3A {strides = array<i32>} : memref<1024x128xf32, #tpu.memory_space<vmem>>, vector<1024x128xf32>,
    return
  }
  func.func @transform_0(%arg0: i32) -> (i32, i32) {
    %c0_i32 = arith.constant 0 : i32
    %c0_i32_0 = arith.constant 0 : i32
    return %c0_i32, %arg0 : i32, i32
  }
  func.func @transform_1(%arg0: i32) -> (i32, i32) {
    %c0_i32 = arith.constant 0 : i32
    %c0_i32_0 = arith.constant 0 : i32
    return %arg0, %c0_i32 : i32, i32
  }
}

module attributes {stable_mosaic.version = 14 : i64} {
  func.func @_mlp_body(%arg0: i32, %arg1: memref<2048x64xf32, #tpu.memory_space<vmem>>, %arg2: memref<64x64xf32, #tpu.memory_space<vmem>>, %arg3: memref<1x64xf32, #tpu.memory_space<vmem>>, %arg4: memref<1000x64xf32, #tpu.memory_space<vmem>>, %arg5: memref<1000x1xf32, #tpu.memory_space<vmem>>, %arg6: memref<1000x2048xf32, #tpu.memory_space<vmem>>) attributes {dimension_semantics = [#tpu.dimension_semantics<arbitrary>], iteration_bounds = array<i64: 8>, scalar_prefetch = 0 : i64, scratch_operands = 0 : i64, tpu.core_type = #tpu.core_type<tc>, window_params = [{transform_indices = @transform_0, window_bounds = array<i64: 2048, 64>}, {pipeline_mode = #tpu.pipeline_mode<synchronous>, transform_indices = @transform_1, window_bounds = array<i64: 64, 64>}, {pipeline_mode = #tpu.pipeline_mode<synchronous>, transform_indices = @transform_2, window_bounds = array<i64: 1, 64>}, {pipeline_mode = #tpu.pipeline_mode<synchronous>, transform_indices = @transform_3, window_bounds = array<i64: 1000, 64>}, {pipeline_mode = #tpu.pipeline_mode<synchronous>, transform_indices = @transform_4, window_bounds = array<i64: 1000, 1>}, {transform_indices = @transform_5, window_bounds = array<i64: 1000, 2048>}]} {
    %get3A = arith.constant 0 : index
    %get3A_0 = arith.constant 0 : index
    %get3A_1 = vector.load %arg1[%get3A, %get3A_0] : memref<2048x64xf32, #tpu.memory_space<vmem>>, vector<2048x64xf32>
    %mul3A = arith.constant 5.000000e-03 : f32
    %mul3A_2 = vector.broadcast %mul3A : f32 to vector<2048x64xf32>
    %mul3A_3 = arith.mulf %get3A_1, %mul3A_2 : vector<2048x64xf32>
    %get3A_4 = arith.constant 0 : index
    %get3A_5 = arith.constant 0 : index
    %get3A_6 = vector.load %arg2[%get3A_4, %get3A_5] : memref<64x64xf32, #tpu.memory_space<vmem>>, vector<64x64xf32>
    %dot_general3A = arith.constant dense<0.000000e+00> : vector<2048x64xf32>
    %dot_general3A_7 = tpu.matmul %mul3A_3, %get3A_6, %dot_general3A {dimension_numbers = #tpu.dot_dimension_numbers<[1], [1], [0], [0], [0, 0, 1, 0], [], []>, transpose_lhs_hint = false} : vector<2048x64xf32>, vector<64x64xf32>, vector<2048x64xf32> -> vector<2048x64xf32>
    %get3A_8 = arith.constant 0 : index
    %get3A_9 = arith.constant 0 : index
    %get3A_10 = vector.load %arg3[%get3A_8, %get3A_9] : memref<1x64xf32, #tpu.memory_space<vmem>>, vector<1x64xf32>
    %add3A = vector.broadcast %get3A_10 : vector<1x64xf32> to vector<2048x64xf32>
    %add3A_11 = arith.addf %dot_general3A_7, %add3A : vector<2048x64xf32>
    %max3A = arith.constant 0.000000e+00 : f32
    %max3A_12 = vector.broadcast %max3A : f32 to vector<2048x64xf32>
    %max3A_13 = arith.maximumf %add3A_11, %max3A_12 : vector<2048x64xf32>
    %get3A_14 = arith.constant 0 : index
    %get3A_15 = arith.constant 0 : index
    %get3A_16 = vector.load %arg4[%get3A_14, %get3A_15] : memref<1000x64xf32, #tpu.memory_space<vmem>>, vector<1000x64xf32>
    %dot_general3A_17 = arith.constant dense<0.000000e+00> : vector<1000x2048xf32>
    %dot_general3A_18 = tpu.matmul %get3A_16, %max3A_13, %dot_general3A_17 {dimension_numbers = #tpu.dot_dimension_numbers<[1], [1], [0], [0], [0, 0, 1, 0], [], []>, transpose_lhs_hint = false} : vector<1000x64xf32>, vector<2048x64xf32>, vector<1000x2048xf32> -> vector<1000x2048xf32>
    %get3A_19 = arith.constant 0 : index
    %get3A_20 = arith.constant 0 : index
    %get3A_21 = vector.load %arg5[%get3A_19, %get3A_20] : memref<1000x1xf32, #tpu.memory_space<vmem>>, vector<1000x1xf32>
    %add3A_22 = vector.broadcast %get3A_21 : vector<1000x1xf32> to vector<1000x2048xf32>
    %add3A_23 = arith.addf %dot_general3A_18, %add3A_22 : vector<1000x2048xf32>
    %swap3A = arith.constant 0 : index
    %swap3A_24 = arith.constant 0 : index
    %swap3A_25 = vector.load %arg6[%swap3A, %swap3A_24] : memref<1000x2048xf32, #tpu.memory_space<vmem>>, vector<1000x2048xf32>
    tpu.vector_store %arg6[%swap3A, %swap3A_24], %add3A_23 {strides = array<i32>} : memref<1000x2048xf32, #tpu.memory_space<vmem>>, vector<1000x2048xf32>,
    return
  }
  func.func @transform_0(%arg0: i32) -> (i32, i32) {
    %c0_i32 = arith.constant 0 : i32
    %c0_i32_0 = arith.constant 0 : i32
    return %arg0, %c0_i32 : i32, i32
  }
  func.func @transform_1(%arg0: i32) -> (i32, i32) {
    %c0_i32 = arith.constant 0 : i32
    %c0_i32_0 = arith.constant 0 : i32
    %c0_i32_1 = arith.constant 0 : i32
    return %c0_i32, %c0_i32_0 : i32, i32
  }
  func.func @transform_2(%arg0: i32) -> (i32, i32) {
    %c0_i32 = arith.constant 0 : i32
    %c0_i32_0 = arith.constant 0 : i32
    %c0_i32_1 = arith.constant 0 : i32
    return %c0_i32, %c0_i32_0 : i32, i32
  }
  func.func @transform_3(%arg0: i32) -> (i32, i32) {
    %c0_i32 = arith.constant 0 : i32
    %c0_i32_0 = arith.constant 0 : i32
    %c0_i32_1 = arith.constant 0 : i32
    return %c0_i32, %c0_i32_0 : i32, i32
  }
  func.func @transform_4(%arg0: i32) -> (i32, i32) {
    %c0_i32 = arith.constant 0 : i32
    %c0_i32_0 = arith.constant 0 : i32
    %c0_i32_1 = arith.constant 0 : i32
    return %c0_i32, %c0_i32_0 : i32, i32
  }
  func.func @transform_5(%arg0: i32) -> (i32, i32) {
    %c0_i32 = arith.constant 0 : i32
    %c0_i32_0 = arith.constant 0 : i32
    return %c0_i32, %arg0 : i32, i32
  }
}

</mosaic_0001>

<sc_bundles>
// kernel: kernel.5.cloned.1.call-start
scs
__scs_entry_jumppad:
0x0: {  	(pc) =	sbr.rel $0x88, $3  }
0x1: {  	(tag) =	ssettag $0x0;
	lr =	simm.s32 $0x1  }
0x2: {  	[smem:$0x3F9B] =	sst lr;
	_ =	strace $0xD0000000  }
0x3: {  	_ = 	snop  }
0x4: {  	_ = 	snop  }
0x5: {  	_ = 	snop  }
0x6: {  	_ = 	snop  }
0x7: {  	_ = 	snop  }
__scs_overlays_trampoline_lowered:
0x8: {  	[smem:$0x3FAA] =	sst s0  }
0x9: {  	[smem:$0x3FAB] =	sst s1  }
0xa: {  	[smem:$0x3FAC] =	sst s2  }
0xb: {  	[smem:$0x3FAD] =	sst s3  }
0xc: {  	[smem:$0x3FAE] =	sst s4  }
0xd: {  	[smem:$0x3FAF] =	sst s5  }
0xe: {  	[smem:$0x3FB0] =	sst s6  }
0xf: {  	[smem:$0x3FB1] =	sst s7  }
0x10: {  	[smem:$0x3FB2] =	sst s8  }
0x11: {  	[smem:$0x3FB3] =	sst s9;
	s0 =	simm.s32 @!p0 $0x0  }
0x12: {  	s1 =	sld [smem:$0x3F99];
	s0 =	simm.s32 @p0 $0x1  }
0x13: {  	[smem:$0x3FB4] =	sst s0;
	s0 =	simm.s32 @!p1 $0x0  }
0x14: {  	s2 =	sld [smem:$0x3F98];
	s0 =	simm.s32 @p1 $0x1  }
0x15: {  	[smem:$0x3FB5] =	sst s0;
	s0 =	simm.s32 @!p2 $0x0  }
0x16: {  	s3 =	sld [smem:$0x3FDB];
	s0 =	simm.s32 @p2 $0x1  }
0x17: {  	s4 =	simm.s32 $0x1BF5;
	[smem:$0x3FB7] =	sst s0  }
0x18: {  	s0 =	sld [smem:$0x3F9A];
	_ =	swait.ge [sflag:s4], $0x0  }
0x19: {  	s7 =	sld [smem:$0x3F9B]  }
0x1a: {  	s8 =	sadd.s32 $0xFFFFE003, lr  }
0x1b: {  	s9 =	sadd.s32 $0xFFFFFEF7, lr;
	s5 =	simm.s32 $0xFFFFFFFF;
	p2 =	slt.u32 s8, $0xFFFFF086  }
0x1c: {  	p1 =	slt.u32 s9, $0xF7A;
	s5 =	simm.s32 @!p2 $0x0  }
0x1d: {  	s5 =	simm.s32 @p1 $0x1;
	p0 =	seq.s32 s7, s2  }
0x1e: {  	s7 =	smul.u32 @!p0 $0xF7A, s2;
	p2 =	seq.s32 @!p0 s5, $0x0  }
0x1f: {  	s9 =	smul.u32 $0xF7A, s1;
	s8 =	simm.s32 @!p0 $0x1BF5;
	p2 =	por !p2, p0  }
0x20: {  	[sflag:s8] =	ssyncset.s32 @!p0 $0xFFFFF086;
	s6 =	sadd.s32 @!p0 s3, s7;
	s7 =	simm.s32 @!p0 $0x108  }
0x21: {  	s3 =	sadd.s32 s3, s9;
	s6 =	sadd.s32 @!p0 $0x88, s6;
	s7 =	simm.s32 @p2 $0x1082  }
0x22: {  	[simem:s7], [sflag:s8] =	dma.local @!p0 [hbm:s6], $0xF7A  }
0x23: {  	s9 =	sor.u32 $0xD0000000, s2;
	s6 =	simm.s32 $0x108;
	_ =	swait.ge @!p0 [sflag:s8], $0x0  }
0x24: {  	s3 =	sadd.s32 $0x88, s3;
	s6 =	simm.s32 @!p1 $0x1082;
	[sflag:s4] =	ssyncset.s32 $0xFFFFF086  }
0x25: {  	[simem:s6], [sflag:s4] =	dma.local [hbm:s3], $0xF7A  }
0x26: {  	[smem:$0x3F9B] =	sst s1;
	(tag) =	ssettag s2;
	_ =	strace s9  }
0x27: {  	s1 =	sld [smem:$0x3FAB]  }
0x28: {  	s2 =	sld [smem:$0x3FAC]  }
0x29: {  	s4 =	sld [smem:$0x3FAE]  }
0x2a: {  	p0 =	seq.s32 s5, $0x0;
	s5 =	sld [smem:$0x3FAF]  }
0x2b: {  	s6 =	sld [smem:$0x3FB0]  }
0x2c: {  	s7 =	sld [smem:$0x3FB1]  }
0x2d: {  	s3 =	simm.s32 $0x108;
	s8 =	sld [smem:$0x3FB2]  }
0x2e: {  	s3 =	simm.s32 @!p0 $0x1082;
	s9 =	sld [smem:$0x3FB3]  }
0x2f: {  	lr =	sadd.s32 s0, s3;
	s0 =	sld [smem:$0x3FAA]  }
0x30: {  	s3 =	sld [smem:$0x3FAD]  }
0x31: {  	[smem:$0x3FB6] =	sst s10  }
0x32: {  	s10 =	sld [smem:$0x3FB4];
	_ =	sdelay $0x3  }
0x33: {  	p0 =	seq.s32 s10, $0x1;
	s10 =	sld [smem:$0x3FB6];
	_ =	sdelay $0x3  }
0x34: {  	[smem:$0x3FB6] =	sst s10  }
0x35: {  	s10 =	sld [smem:$0x3FB5];
	_ =	sdelay $0x3  }
0x36: {  	p1 =	seq.s32 s10, $0x1;
	s10 =	sld [smem:$0x3FB6];
	_ =	sdelay $0x3  }
0x37: {  	[smem:$0x3FB6] =	sst s10  }
0x38: {  	s10 =	sld [smem:$0x3FB7]  }
0x39: {  	_ = 	snop;
	(pc) =	sbr.ind lr, $3  }
0x3a: {  	_ = 	snop  }
0x3b: {  	_ = 	snop  }
0x3c: {  	p2 =	seq.s32 s10, $0x1;
	s10 =	sld [smem:$0x3FB6]  }
0x3d: {  	_ =	shalt  }
0x3e: {  	_ =	shalt  }
0x3f: {  	_ =	shalt  }
0x40: {  	_ =	shalt  }
0x41: {  	_ =	shalt  }
0x42: {  	_ =	shalt  }
0x43: {  	_ =	shalt  }
0x44: {  	_ =	shalt  }
0x45: {  	_ =	shalt  }
0x46: {  	_ =	shalt  }
0x47: {  	_ =	shalt  }
0x48: {  	_ =	shalt  }
0x49: {  	_ =	shalt  }
0x4a: {  	_ =	shalt  }
0x4b: {  	_ =	shalt  }
0x4c: {  	_ =	shalt  }
0x4d: {  	_ =	shalt  }
0x4e: {  	_ =	shalt  }
0x4f: {  	_ =	shalt  }
0x50: {  	_ =	shalt  }
0x51: {  	_ =	shalt  }
0x52: {  	_ =	shalt  }
0x53: {  	_ =	shalt  }
0x54: {  	_ =	shalt  }
0x55: {  	_ =	shalt  }
0x56: {  	_ =	shalt  }
0x57: {  	_ =	shalt  }
0x58: {  	_ =	shalt  }
0x59: {  	_ =	shalt  }
0x5a: {  	_ =	shalt  }
0x5b: {  	_ =	shalt  }
0x5c: {  	_ =	shalt  }
0x5d: {  	_ =	shalt  }
0x5e: {  	_ =	shalt  }
0x5f: {  	_ =	shalt  }
0x60: {  	_ =	shalt  }
0x61: {  	_ =	shalt  }
0x62: {  	_ =	shalt  }
0x63: {  	_ =	shalt  }
0x64: {  	_ =	shalt  }
0x65: {  	_ =	shalt  }
0x66: {  	_ =	shalt  }
0x67: {  	_ =	shalt  }
0x68: {  	_ =	shalt  }
0x69: {  	_ =	shalt  }
0x6a: {  	_ =	shalt  }
0x6b: {  	_ =	shalt  }
0x6c: {  	_ =	shalt  }
0x6d: {  	_ =	shalt  }
0x6e: {  	_ =	shalt  }
0x6f: {  	_ =	shalt  }
0x70: {  	_ =	shalt  }
0x71: {  	_ =	shalt  }
0x72: {  	_ =	shalt  }
0x73: {  	_ =	shalt  }
0x74: {  	_ =	shalt  }
0x75: {  	_ =	shalt  }
0x76: {  	_ =	shalt  }
0x77: {  	_ =	shalt  }
0x78: {  	_ =	shalt  }
0x79: {  	_ =	shalt  }
0x7a: {  	_ =	shalt  }
0x7b: {  	_ =	shalt  }
0x7c: {  	_ =	shalt  }
0x7d: {  	_ =	shalt  }
0x7e: {  	_ =	shalt  }
0x7f: {  	_ =	shalt  }
0x80: {  	_ =	shalt  }
0x81: {  	_ =	shalt  }
0x82: {  	_ =	shalt  }
0x83: {  	_ =	shalt  }
0x84: {  	_ =	shalt  }
0x85: {  	_ =	shalt  }
0x86: {  	_ =	shalt  }
0x87: {  	_ =	shalt  }
.Lfunc_end0:
.L_simem_size_0:
called_computation_lowered:
.L_overlay_start_0:
0x88: {  	s2 =	sld [smem:$0x3FD9]  }
0x89: {  	s3 =	sld [smem:$0x3FFE];
	_ =	sdelay $0x1  }
0x8a: {  	s1 =	srdreg.scid  }
0x8b: {  	s0 =	sand.u32 $0x1, s1  }
0x8c: {  	s17 =	sshll.u32 s0, $0xA;
	s2 =	sadd.s32 s3, s2  }
0x8d: {  	s2 =	sadd.s32 s2, s17  }
0x8e: {  	[smem:$0x3FC2] =	sst s2  }
0x8f: {  	_ = 	snop  }
0x90: {  	s2 =	sld [smem:$0x3FD0];
	(tm) =	ssettm $0x1  }
0x91: {  	s18 =	sld [smem:$0x3FFB];
	_ =	sdelay $0x3  }
0x92: {  	_ =	strace s18  }
0x93: {  	s3 =	sld [smem:$0x3FFC];
	_ =	sdelay $0x3  }
0x94: {  	_ =	strace s3  }
0x95: {  	s3 =	sld [smem:$0x3FFD];
	_ =	sdelay $0x3  }
0x96: {  	_ =	strace s3  }
0x97: {  	_ =	strace $0x8FFFFFFF  }
0x98: {  	s19 =	sld [smem:$0x3FDB];
	_ =	sdelay $0x1  }
0x99: {  	s4 =	simm.s32 $_scs_section_size  }
0x9a: {  	s5 =	simm.s32 $_size__tile_overlayer_lowered;
	s6 =	simm.s32 $_tile_overlayer_lowered  }
0x9b: {  	s22 =	simm.s32 $0x1BFF;
	s21 =	sshll.u32 s6, $0x1;
	s3 =	sadd.s32 s4, s19  }
0x9c: {  	s7 =	simm.s32 $0x0;
	s20 =	sshll.u32 s5, $0x1;
	s5 =	sadd.s32 s21, s3  }
0x9d: {  	[timem:s7], [sflag:s22] =	dma.local [hbm:s5], s20  }
0x9e: {  	_ =	swait.ge [sflag:s22], s20  }
0x9f: {  	s4 =	ssub.s32 $0x0, s20;
	[sflag:s22] =	ssyncset.done $0x0  }
0xa0: {  	[sflag:s22] =	ssyncadd.s32 s4;
	_ =	sdelay $0x1  }
0xa1: {  	s23 =	simm.s32 $0x1B8B  }
0xa2: {  	_ =	swait.ge [sflag:s23], $0x1  }
0xa3: {  	[sflag:s23] =	ssyncset.done $0x0  }
0xa4: {  	s25 =	simm.s32 $0x1B8E;
	s24 =	sld [smem:$0x3FFE];
	[sflag:s23] =	ssyncadd.s32 $0xFFFFFFFF  }
0xa5: {  	s26 =	simm.s32 $execute0_lowered;
	[smem:$0x3FD2] =	sst s25  }
0xa6: {  	s5 =	sshll.u32 s26, $0x1;
	_ =	strace $0x80000046;
	[dreg:$0x1] =	wrdreg $0xFFFFFFFF  }
0xa7: {  	s28 =	simm.s32 $_size_execute0_lowered;
	s3 =	sadd.s32 s3, s5;
	[dreg:$0x0] =	wrdreg $0x0  }
0xa8: {  	s5 =	sshll.u32 s28, $0x1;
	[dreg:$0x2] =	wrdreg s3  }
0xa9: {  	[dreg:$0x3] =	wrdreg s5  }
0xaa: {  	[dreg:$0x4] =	wrdreg $0xC0  }
0xab: {  	_ =	task [dreg:s7], $0x5FFFF  }
0xac: {  	[dreg:$0x1] =	wrdreg $0xFFFFFFFF  }
0xad: {  	[dreg:$0x0] =	wrdreg $0x60  }
0xae: {  	[dreg:$0x2] =	wrdreg s2  }
0xaf: {  	[dreg:$0x3] =	wrdreg s24  }
0xb0: {  	[dreg:$0x4] =	wrdreg $0x9  }
0xb1: {  	_ =	task.clear_ibuf [dreg:s7], $0x5FFFF;
	_ =	strace $0x90000046  }
0xb2: {  	s29 =	simm.s32 $0x9;
	_ =	strace $0x80000048  }
0xb3: {  	_ =	swait.ge [sflag:s29], $0x1  }
0xb4: {  	[sflag:s29] =	ssyncadd.s32 $0xFFFFFFFF  }
0xb5: {  	_ =	strace $0x90000048  }
0xb6: {  	_ =	sfence  }
0xb7: {  	s30 =	sld [smem:$0x0];
	_ =	sdelay $0x2  }
0xb8: {  	s31 =	sshll.u32 s1, $0xD;
	s1 =	sshrl.u32 s1, $0x2  }
0xb9: {  	s3 =	sand.u32 $0x4000, s31;
	s1 =	sadd.s32 s1, s30  }
0xba: {  	s0 =	sor.u32 s3, s0;
	s1 =	sshll.u32 s1, $0x11  }
0xbb: {  	s0 =	sor.u32 s1, s0  }
0xbc: {  	s0 =	sadd.s32 $0x8F2B, s0  }
0xbd: {  	[sflag:s0] =	ssyncadd.remote.s32 $0x1  }
0xbe: {  	_ =	sfence.sel $0xFFFF  }
0xbf: {  	[dreg:$0x0] =	wrdreg $0xFFFFFFFF;
	(pc) =	sbr.abs _section_cstart, $3  }
0xc0: {  	[dreg:$0x1] =	wrdreg $0xFFFFFFFF  }
0xc1: {  	_ =	task.clear_ibuf [dreg:s7], $0x2FFFF;
	_ =	strace $0x9FFFFFFF  }
0xc2: {  	(tm) =	ssettm $0x7FFFFFFF  }
0xc3: {  	_ =	shalt  }
tec
execute0_lowered:
.L_overlay_start_1:
0x0: {  	(tag) =	ssettag $0x1  }
0x1: {  	s1 =	rddreg [dreg:$0x0]  }
0x2: {  	s5 =	rddreg [dreg:$0x1]  }
0x3: {  	s0 =	rddreg [dreg:$0x2];
	s2 =	simm.s32 $0x0;
	s3 =	srdreg.scid  }
0x4: {  	s10 =	simm.s32 $0x3200;
	s11 =	simm.s32 $0x48;
	s12 =	simm.s32 $0x5200  }
0x5: {  	s13 =	simm.s32 $0x6400;
	s14 =	simm.s32 $0x8400;
	s15 =	simm.s32 $0x1  }
0x6: {  	s16 =	simm.s32 $0x2;
	s17 =	simm.s32 $0x9600;
	s18 =	simm.s32 $0x0  }
0x7: {  	[smem:$0x7FF] =	sst s2;
	s6 =	sand.u32 $0x1, s3;
	s4 =	sadd.s32 $0xC00, s5  }
0x8: {  	s3 =	stileid.u32;
	s5 =	sadd.s32 $0x7A4C00, s5;
	s7 =	ssub.s32 $0x2, s6  }
0x9: {  	s9 =	sshll.u32 s3, $0xA;
	s6 =	sshll.u32 s6, $0x9;
	s8 =	sshrl.u32 s7, $0x1  }
0xa: {  	_ =	strace $0x80000047;
	s6 =	sor.u32 s6, s9;
	s7 =	ssub.s32 s7, s8  }
0xb: {  	s9 =	simm.s32 $0x80;
	s8 =	simm.s32 $0x3;
	s7 =	smax.u32 s7, $0x1  }
.LBB2_1:
0xc: {  	s19 =	simm.s32 $0x0  }
.LBB2_2:
0xd: {  	s20 =	sshll.u32 s19, $0x6  }
0xe: {  	s20 =	sadd.s32 s6, s20  }
0xf: {  	s21 =	smul.u32 $0x19, s20;
	_ =	sdelay $0x1  }
0x10: {  	s22 =	sadd.s32 s1, s21;
	s21 =	simm.s32 $0x0  }
0x11: {  	[tilespmem:s21], [sflag:$0x3] =	stream.linear.gather [hbm4b:s22+s21], $0x3200, $0x38;
	[tilespmem:$0xA600] =	vst v63  }
0x12: {  	_ =	swait.ge [sflag:s8], $0x3200  }
0x13: {  	[sflag:s8] =	ssyncset.done $0x0  }
0x14: {  	[sflag:s8] =	ssyncadd.s32 $0xFFFFCE00  }
0x15: {  	[tilespmem:s10], [sflag:$0x1] =	stream.indirect.gather [hbm4b:s4+s9], $0x40, s21, s9, $0xb8;
	[tilespmem:$0xA600] =	vst v63  }
0x16: {  	_ = 	snop  }
0x17: {  	[tilespmem:s12], [sflag:$0x1] =	stream.indirect.gather [hbm4b:s4+s11], $0x40, s9, s11, $0xb8;
	[tilespmem:$0xA600] =	vst v63  }
.LBB2_3:
0x18: {  	s22 =	sshllo.u32 s21, $0x1  }
0x19: {  	s23 =	smul.u32 $0x320, s22;
	_ =	sdelay $0x1  }
0x1a: {  	s23 =	sshra.s32 s23, $0x2  }
0x1b: {  	[tilespmem:s13], [sflag:$0x2] =	stream.indirect.gather [hbm4b:s4+s9], $0x40, s23, s9, $0xb8;
	[tilespmem:$0xA600] =	vst v63  }
0x1c: {  	s23 =	sadd.s32 $0x80, s23  }
0x1d: {  	[tilespmem:s14], [sflag:$0x2] =	stream.indirect.gather [hbm4b:s4+s11], $0x40, s23, s11, $0xb8;
	[tilespmem:$0xA600] =	vst v63  }
0x1e: {  	_ =	swait.ge [sflag:s15], $0x3200  }
0x1f: {  	[sflag:s15] =	ssyncset.done $0x0  }
0x20: {  	s23 =	simm.s32 $0x0;
	[sflag:s15] =	ssyncadd.s32 $0xFFFFCE00  }
0x21: {  	v3 =	vld [tilespmem:s23+$0x3380]  }
0x22: {  	v4 =	vld [tilespmem:s23+$0x3390]  }
0x23: {  	v5 =	vld [tilespmem:s23+$0x33A0]  }
0x24: {  	v6 =	vld [tilespmem:s23+$0x33B0]  }
0x25: {  	v0 =	vld [tilespmem:s23+$0x33C0]  }
0x26: {  	v1 =	vld [tilespmem:s23+$0x33D0]  }
0x27: {  	v13 =	vld [tilespmem:s23+$0x3300]  }
0x28: {  	v15 =	vld [tilespmem:s23+$0x3310]  }
0x29: {  	v12 =	vld [tilespmem:s23+$0x3320]  }
0x2a: {  	v14 =	vld [tilespmem:s23+$0x3330]  }
0x2b: {  	v2 =	vld [tilespmem:s23+$0x3340]  }
0x2c: {  	v9 =	vld [tilespmem:s23+$0x3280]  }
0x2d: {  	v10 =	vld [tilespmem:s23+$0x3290]  }
0x2e: {  	v11 =	vld [tilespmem:s23+$0x3200]  }
0x2f: {  	v17 =	vld [tilespmem:s23+$0x3210]  }
0x30: {  	v18 =	vld [tilespmem:s23+$0x3220]  }
0x31: {  	v19 =	vld [tilespmem:s23+$0x3230]  }
0x32: {  	v20 =	vld [tilespmem:s23+$0x32A0]  }
0x33: {  	v24 =	vld [tilespmem:s23+$0x32B0]  }
0x34: {  	v8 =	vimm.f32 $0.0e+00;
	v7 =	vld [tilespmem:s23+$0x3350]  }
0x35: {  	v16 =	vld [tilespmem:s23+$0x32C0];
	v11 =	vadd.f32 v11, v8;
	v22 =	vadd.f32 v17, v8  }
0x36: {  	v17 =	vld [tilespmem:s23+$0x32D0];
	v23 =	vadd.f32 v18, v8;
	v25 =	vadd.f32 v19, v8  }
0x37: {  	v18 =	vld [tilespmem:s23+$0x3240];
	v21 =	vadd.f32 v9, v11;
	v22 =	vadd.f32 v10, v22  }
0x38: {  	v19 =	vld [tilespmem:s23+$0x3250];
	v23 =	vadd.f32 v20, v23;
	v24 =	vadd.f32 v24, v25  }
0x39: {  	s24 =	simm.s32 $0x800;
	v20 =	vld [tilespmem:s23+$0x3260];
	v11 =	vimm.f32 $0.0e+00;
	v10 =	vimm.f32 $0.0e+00;
	v9 =	vimm.f32 $0.0e+00  }
.LBB2_4:
0x3a: {  	p0 =	sne.s32 s24, $0xC000;
	v25 =	vld [tilespmem:s23+$0x3270];
	v13 =	vadd.f32 v13, v21;
	v15 =	vadd.f32 v15, v22  }
0x3b: {  	v21 =	vld [tilespmem:s23+$0x32E0];
	v12 =	vadd.f32 v12, v23;
	v14 =	vadd.f32 v14, v24  }
0x3c: {  	v22 =	vld [tilespmem:s23+$0x32F0];
	v23 =	vadd.f32 v3, v13;
	v24 =	vadd.f32 v4, v15  }
0x3d: {  	v13 =	vld [tilespmem:s23+$0x3360];
	v26 =	vadd.f32 v5, v12;
	v27 =	vadd.f32 v6, v14  }
0x3e: {  	v3 =	vadd.f32 v18, v8;
	v4 =	vadd.f32 v19, v11;
	v6 =	vld [tilespmem:s23+$0x3370]  }
0x3f: {  	v5 =	vadd.f32 v20, v10;
	v8 =	vadd.f32 v25, v9;
	v9 =	vld [tilespmem:s23+$0x33E0]  }
0x40: {  	v10 =	vadd.f32 v16, v3;
	v11 =	vadd.f32 v17, v4;
	v12 =	vld [tilespmem:s23+$0x33F0];
	s23 =	sshra.s32 s24, $0x2  }
0x41: {  	v14 =	vadd.f32 v21, v5;
	v3 =	vld [tilespmem:s23+$0x3380];
	v8 =	vadd.f32 v22, v8  }
0x42: {  	v2 =	vadd.f32 v2, v10;
	v7 =	vadd.f32 v7, v11;
	v4 =	vld [tilespmem:s23+$0x3390]  }
0x43: {  	v10 =	vadd.f32 v13, v14;
	v5 =	vld [tilespmem:s23+$0x33A0];
	v13 =	vadd.f32 v6, v8  }
0x44: {  	v8 =	vadd.f32 v0, v2;
	v11 =	vadd.f32 v1, v7;
	v6 =	vld [tilespmem:s23+$0x33B0]  }
0x45: {  	v10 =	vadd.f32 v9, v10;
	v0 =	vld [tilespmem:s23+$0x33C0];
	v9 =	vadd.f32 v12, v13  }
0x46: {  	v1 =	vld [tilespmem:s23+$0x33D0]  }
0x47: {  	v13 =	vld [tilespmem:s23+$0x3300]  }
0x48: {  	v15 =	vld [tilespmem:s23+$0x3310]  }
0x49: {  	v12 =	vld [tilespmem:s23+$0x3320]  }
0x4a: {  	v14 =	vld [tilespmem:s23+$0x3330]  }
0x4b: {  	v2 =	vld [tilespmem:s23+$0x3340]  }
0x4c: {  	v7 =	vld [tilespmem:s23+$0x3350]  }
0x4d: {  	v20 =	vld [tilespmem:s23+$0x3280]  }
0x4e: {  	v22 =	vld [tilespmem:s23+$0x3290]  }
0x4f: {  	v17 =	vld [tilespmem:s23+$0x3200]  }
0x50: {  	v18 =	vld [tilespmem:s23+$0x3210]  }
0x51: {  	v19 =	vld [tilespmem:s23+$0x3220]  }
0x52: {  	v21 =	vld [tilespmem:s23+$0x3230]  }
0x53: {  	v25 =	vld [tilespmem:s23+$0x32A0]  }
0x54: {  	v28 =	vld [tilespmem:s23+$0x32B0]  }
.Ltmp0:
0x55: {  	v16 =	vld [tilespmem:s23+$0x32C0];
	(pc) =	sbr.rel @p0 .LBB2_4-.Ltmp0, $4  }
0x56: {  	v23 =	vadd.f32 v17, v23;
	v24 =	vadd.f32 v18, v24;
	v17 =	vld [tilespmem:s23+$0x32D0]  }
0x57: {  	v26 =	vadd.f32 v19, v26;
	v27 =	vadd.f32 v21, v27;
	v18 =	vld [tilespmem:s23+$0x3240]  }
0x58: {  	v21 =	vadd.f32 v20, v23;
	v22 =	vadd.f32 v22, v24;
	v19 =	vld [tilespmem:s23+$0x3250]  }
0x59: {  	s24 =	sadd.s32 $0x800, s24;
	v23 =	vadd.f32 v25, v26;
	v20 =	vld [tilespmem:s23+$0x3260];
	v24 =	vadd.f32 v28, v27  }
0x5a: {  	v13 =	vadd.f32 v13, v21;
	v15 =	vadd.f32 v15, v22  }
0x5b: {  	v21 =	vld [tilespmem:s23+$0x3270];
	v12 =	vadd.f32 v12, v23;
	v14 =	vadd.f32 v14, v24  }
0x5c: {  	v22 =	vld [tilespmem:s23+$0x32E0];
	v3 =	vadd.f32 v3, v13;
	v4 =	vadd.f32 v4, v15  }
0x5d: {  	v13 =	vld [tilespmem:s23+$0x32F0];
	v8 =	vadd.f32 v18, v8;
	v5 =	vadd.f32 v5, v12  }
0x5e: {  	v12 =	vld [tilespmem:s23+$0x3360];
	v6 =	vadd.f32 v6, v14;
	v11 =	vadd.f32 v19, v11  }
0x5f: {  	v14 =	vld [tilespmem:s23+$0x3370];
	v10 =	vadd.f32 v20, v10;
	v8 =	vadd.f32 v16, v8  }
0x60: {  	v15 =	vld [tilespmem:s23+$0x33E0];
	v9 =	vadd.f32 v21, v9;
	v11 =	vadd.f32 v17, v11  }
0x61: {  	v16 =	vld [tilespmem:s23+$0x33F0];
	v10 =	vadd.f32 v22, v10;
	v2 =	vadd.f32 v2, v8  }
0x62: {  	v8 =	vadd.f32 v13, v9;
	v7 =	vadd.f32 v7, v11  }
0x63: {  	v9 =	vadd.f32 v12, v10;
	v0 =	vadd.f32 v0, v2  }
0x64: {  	v2 =	vadd.f32 v14, v8;
	v1 =	vadd.f32 v1, v7  }
0x65: {  	s31 =	sshll.u32 s21, $0x7;
	v7 =	vadd.f32 v15, v9;
	v0 =	vadd.f32 v0, v3  }
0x66: {  	p0 =	seq.s32 s21, $0x1F;
	s23 =	sand.u32 $0x3FFFFF80, s31;
	v2 =	vadd.f32 v16, v2;
	v1 =	vadd.f32 v1, v4  }
0x67: {  	s24 =	smul.u32 @!p0 $0x640, s21;
	[tilespmem:s23+$0x9600] =	vst v0;
	v0 =	vadd.f32 v7, v5  }
0x68: {  	[tilespmem:s23+$0x9610] =	vst v1;
	v1 =	vadd.f32 v2, v6  }
0x69: {  	s24 =	sshra.s32 @!p0 s24, $0x2;
	[tilespmem:s23+$0x9620] =	vst v0  }
0x6a: {  	s25 =	simm.s32 @!p0 $0x80;
	s26 =	simm.s32 @!p0 $0x3200;
	[tilespmem:s23+$0x9630] =	vst v1;
	s23 =	sadd.s32 @!p0 $0x190, s24  }
0x6b: {  	[tilespmem:s26], [sflag:$0x1] =	stream.indirect.gather @!p0 [hbm4b:s4+s25], $0x40, s23, s25, $0xb8;
	[tilespmem:$0xA600] =	vst v63  }
0x6c: {  	s23 =	sadd.s32 @!p0 $0x210, s24;
	s24 =	simm.s32 @!p0 $0x48;
	s25 =	simm.s32 @!p0 $0x5200  }
0x6d: {  	[tilespmem:s25], [sflag:$0x1] =	stream.indirect.gather @!p0 [hbm4b:s4+s24], $0x40, s23, s24, $0xb8;
	[tilespmem:$0xA600] =	vst v63  }
0x6e: {  	_ =	swait.ge [sflag:s16], $0x3200  }
0x6f: {  	[sflag:s16] =	ssyncset.done $0x0  }
0x70: {  	s23 =	simm.s32 $0x0;
	[sflag:s16] =	ssyncadd.s32 $0xFFFFCE00  }
0x71: {  	v3 =	vld [tilespmem:s23+$0x6580]  }
0x72: {  	v4 =	vld [tilespmem:s23+$0x6590]  }
0x73: {  	v5 =	vld [tilespmem:s23+$0x65A0]  }
0x74: {  	v6 =	vld [tilespmem:s23+$0x65B0]  }
0x75: {  	v0 =	vld [tilespmem:s23+$0x65C0]  }
0x76: {  	v1 =	vld [tilespmem:s23+$0x65D0]  }
0x77: {  	v13 =	vld [tilespmem:s23+$0x6500]  }
0x78: {  	v15 =	vld [tilespmem:s23+$0x6510]  }
0x79: {  	v12 =	vld [tilespmem:s23+$0x6520]  }
0x7a: {  	v14 =	vld [tilespmem:s23+$0x6530]  }
0x7b: {  	v2 =	vld [tilespmem:s23+$0x6540]  }
0x7c: {  	v9 =	vld [tilespmem:s23+$0x6480]  }
0x7d: {  	v10 =	vld [tilespmem:s23+$0x6490]  }
0x7e: {  	v11 =	vld [tilespmem:s23+$0x6400]  }
0x7f: {  	v17 =	vld [tilespmem:s23+$0x6410]  }
0x80: {  	v18 =	vld [tilespmem:s23+$0x6420]  }
0x81: {  	v19 =	vld [tilespmem:s23+$0x6430]  }
0x82: {  	v20 =	vld [tilespmem:s23+$0x64A0]  }
0x83: {  	v24 =	vld [tilespmem:s23+$0x64B0]  }
0x84: {  	v8 =	vimm.f32 $0.0e+00;
	v7 =	vld [tilespmem:s23+$0x6550]  }
0x85: {  	v16 =	vld [tilespmem:s23+$0x64C0];
	v11 =	vadd.f32 v11, v8;
	v22 =	vadd.f32 v17, v8  }
0x86: {  	v17 =	vld [tilespmem:s23+$0x64D0];
	v23 =	vadd.f32 v18, v8;
	v25 =	vadd.f32 v19, v8  }
0x87: {  	v18 =	vld [tilespmem:s23+$0x6440];
	v21 =	vadd.f32 v9, v11;
	v22 =	vadd.f32 v10, v22  }
0x88: {  	v19 =	vld [tilespmem:s23+$0x6450];
	v23 =	vadd.f32 v20, v23;
	v24 =	vadd.f32 v24, v25  }
0x89: {  	s24 =	simm.s32 $0x800;
	v20 =	vld [tilespmem:s23+$0x6460];
	v11 =	vimm.f32 $0.0e+00;
	v10 =	vimm.f32 $0.0e+00;
	v9 =	vimm.f32 $0.0e+00  }
.LBB2_6:
0x8a: {  	p0 =	sne.s32 s24, $0xC000;
	v25 =	vld [tilespmem:s23+$0x6470];
	v13 =	vadd.f32 v13, v21;
	v15 =	vadd.f32 v15, v22  }
0x8b: {  	v21 =	vld [tilespmem:s23+$0x64E0];
	v12 =	vadd.f32 v12, v23;
	v14 =	vadd.f32 v14, v24  }
0x8c: {  	v22 =	vld [tilespmem:s23+$0x64F0];
	v23 =	vadd.f32 v3, v13;
	v24 =	vadd.f32 v4, v15  }
0x8d: {  	v13 =	vld [tilespmem:s23+$0x6560];
	v26 =	vadd.f32 v5, v12;
	v27 =	vadd.f32 v6, v14  }
0x8e: {  	v3 =	vadd.f32 v18, v8;
	v4 =	vadd.f32 v19, v11;
	v6 =	vld [tilespmem:s23+$0x6570]  }
0x8f: {  	v5 =	vadd.f32 v20, v10;
	v8 =	vadd.f32 v25, v9;
	v9 =	vld [tilespmem:s23+$0x65E0]  }
0x90: {  	v10 =	vadd.f32 v16, v3;
	v11 =	vadd.f32 v17, v4;
	v12 =	vld [tilespmem:s23+$0x65F0];
	s23 =	sshra.s32 s24, $0x2  }
0x91: {  	v14 =	vadd.f32 v21, v5;
	v3 =	vld [tilespmem:s23+$0x6580];
	v8 =	vadd.f32 v22, v8  }
0x92: {  	v2 =	vadd.f32 v2, v10;
	v7 =	vadd.f32 v7, v11;
	v4 =	vld [tilespmem:s23+$0x6590]  }
0x93: {  	v10 =	vadd.f32 v13, v14;
	v5 =	vld [tilespmem:s23+$0x65A0];
	v13 =	vadd.f32 v6, v8  }
0x94: {  	v8 =	vadd.f32 v0, v2;
	v11 =	vadd.f32 v1, v7;
	v6 =	vld [tilespmem:s23+$0x65B0]  }
0x95: {  	v10 =	vadd.f32 v9, v10;
	v0 =	vld [tilespmem:s23+$0x65C0];
	v9 =	vadd.f32 v12, v13  }
0x96: {  	v1 =	vld [tilespmem:s23+$0x65D0]  }
0x97: {  	v13 =	vld [tilespmem:s23+$0x6500]  }
0x98: {  	v15 =	vld [tilespmem:s23+$0x6510]  }
0x99: {  	v12 =	vld [tilespmem:s23+$0x6520]  }
0x9a: {  	v14 =	vld [tilespmem:s23+$0x6530]  }
0x9b: {  	v2 =	vld [tilespmem:s23+$0x6540]  }
0x9c: {  	v7 =	vld [tilespmem:s23+$0x6550]  }
0x9d: {  	v20 =	vld [tilespmem:s23+$0x6480]  }
0x9e: {  	v22 =	vld [tilespmem:s23+$0x6490]  }
0x9f: {  	v17 =	vld [tilespmem:s23+$0x6400]  }
0xa0: {  	v18 =	vld [tilespmem:s23+$0x6410]  }
0xa1: {  	v19 =	vld [tilespmem:s23+$0x6420]  }
0xa2: {  	v21 =	vld [tilespmem:s23+$0x6430]  }
0xa3: {  	v25 =	vld [tilespmem:s23+$0x64A0]  }
0xa4: {  	v28 =	vld [tilespmem:s23+$0x64B0]  }
.Ltmp1:
0xa5: {  	v16 =	vld [tilespmem:s23+$0x64C0];
	(pc) =	sbr.rel @p0 .LBB2_6-.Ltmp1, $4  }
0xa6: {  	v23 =	vadd.f32 v17, v23;
	v24 =	vadd.f32 v18, v24;
	v17 =	vld [tilespmem:s23+$0x64D0]  }
0xa7: {  	v26 =	vadd.f32 v19, v26;
	v27 =	vadd.f32 v21, v27;
	v18 =	vld [tilespmem:s23+$0x6440]  }
0xa8: {  	v21 =	vadd.f32 v20, v23;
	v22 =	vadd.f32 v22, v24;
	v19 =	vld [tilespmem:s23+$0x6450]  }
0xa9: {  	s24 =	sadd.s32 $0x800, s24;
	v23 =	vadd.f32 v25, v26;
	v20 =	vld [tilespmem:s23+$0x6460];
	v24 =	vadd.f32 v28, v27  }
0xaa: {  	v13 =	vadd.f32 v13, v21;
	v15 =	vadd.f32 v15, v22  }
0xab: {  	v51 =	vld [tilespmem:s23+$0x6470];
	v12 =	vadd.f32 v12, v23;
	v14 =	vadd.f32 v14, v24  }
0xac: {  	v52 =	vld [tilespmem:s23+$0x64E0];
	v3 =	vadd.f32 v3, v13;
	v4 =	vadd.f32 v4, v15  }
0xad: {  	v53 =	vld [tilespmem:s23+$0x64F0];
	v8 =	vadd.f32 v18, v8;
	v5 =	vadd.f32 v5, v12  }
0xae: {  	v54 =	vld [tilespmem:s23+$0x6560];
	v6 =	vadd.f32 v6, v14;
	v11 =	vadd.f32 v19, v11  }
0xaf: {  	v55 =	vld [tilespmem:s23+$0x6570];
	v10 =	vadd.f32 v20, v10;
	v8 =	vadd.f32 v16, v8  }
0xb0: {  	v56 =	vld [tilespmem:s23+$0x65E0];
	v9 =	vadd.f32 v51, v9;
	v11 =	vadd.f32 v17, v11  }
0xb1: {  	v57 =	vld [tilespmem:s23+$0x65F0];
	v10 =	vadd.f32 v52, v10;
	v2 =	vadd.f32 v2, v8  }
0xb2: {  	v58 =	vadd.f32 v53, v9;
	v7 =	vadd.f32 v7, v11  }
0xb3: {  	v59 =	vadd.f32 v54, v10;
	v0 =	vadd.f32 v0, v2  }
0xb4: {  	s21 =	sadd.s32 $0x1, s21;
	v60 =	vadd.f32 v55, v58;
	v1 =	vadd.f32 v1, v7  }
0xb5: {  	s22 =	sshll.u32 s22, $0x6;
	p0 =	sne.s32 s21, $0x20;
	v61 =	vadd.f32 v56, v59;
	v0 =	vadd.f32 v0, v3  }
.Ltmp2:
0xb6: {  	s22 =	sand.u32 $0x3FFFFFC0, s22;
	v2 =	vadd.f32 v57, v60;
	v1 =	vadd.f32 v1, v4;
	(pc) =	sbr.rel @p0 .LBB2_3-.Ltmp2, $4  }
0xb7: {  	[tilespmem:s22+$0x9600] =	vst v0;
	v62 =	vadd.f32 v61, v5  }
0xb8: {  	[tilespmem:s22+$0x9610] =	vst v1;
	v63 =	vadd.f32 v2, v6  }
0xb9: {  	[tilespmem:s22+$0x9620] =	vst v62  }
0xba: {  	[tilespmem:s22+$0x9630] =	vst v63  }
0xbb: {  	s19 =	sadd.s32 $0x1, s19  }
0xbc: {  	s20 =	sshll.u32 s20, $0x3;
	p0 =	sne.s32 s19, $0x8  }
.Ltmp3:
0xbd: {  	s20 =	sadd.s32 s5, s20;
	(pc) =	sbr.rel @p0 .LBB2_2-.Ltmp3, $4  }
0xbe: {  	[hbm4b:s20+s2] =	stream.linear.scatter [tilespmem:s17], [sflag:$0x3], $0x1000, $0x38;
	[tilespmem:$0xA600] =	vst v63  }
0xbf: {  	_ =	swait.ge [sflag:s8], $0x1000  }
0xc0: {  	[sflag:s8] =	ssyncset.done $0x0  }
0xc1: {  	[sflag:s8] =	ssyncadd.s32 $0xFFFFF000  }
0xc2: {  	s18 =	sadd.s32 $0x1, s18  }
0xc3: {  	p0 =	sne.s32 s18, s7  }
.Ltmp4:
0xc4: {  	_ = 	snop;
	(pc) =	sbr.rel @p0 .LBB2_1-.Ltmp4, $1  }
0xc5: {  	_ =	sdelay $0x3  }
0xc6: {  	_ =	sfence.sel $0x180000  }
0xc7: {  	[bflag:$0x0] =	sbarrier.arrive $0xFFFF  }
0xc8: {  	p0 =	sne.s32 s3, $0x0;
	_ =	strace $0x90000047  }
0xc9: {  	s0 =	sadd.s32 @!p0 $0x100000, s0;
	[bflag:$0x2] =	sbarrier.arrive $0xFFFF  }
0xca: {  	[sflag:s0] =	ssyncadd.tile.s32 @!p0 $0x1;
	_ =	shalt  }
.Lfunc_end2:
_tile_overlayer_lowered:
.L_overlay_start_2:
0xcb: {  	(tag) =	ssettag $0x2  }
0xcc: {  	s0 =	rddreg [dreg:$0x0];
	s2 =	stileid.u32  }
0xcd: {  	s1 =	rddreg [dreg:$0x1];
	p0 =	sne.s32 s2, $0x0  }
0xce: {  	s3 =	rddreg [dreg:$0x2];
	[bflag:$0x3] =	sbarrier.arrive $0xFFFF;
	s2 =	simm.s32 @!p0 $0x1C03  }
0xcf: {  	[timem:s3], [sflag:s2] =	dma.local @!p0 [hbm:s0], s1  }
0xd0: {  	s0 =	simm.s32 @!p0 $0x3  }
0xd1: {  	_ =	swait.ge @!p0 [sflag:s0], s1  }
0xd2: {  	s1 =	ssub.s32 @!p0 $0x0, s1;
	[sflag:s0] =	ssyncset.done @!p0 $0x0  }
0xd3: {  	[sflag:s0] =	ssyncadd.s32 @!p0 s1  }
0xd4: {  	[bflag:$0x3] =	sbarrier.arrive $0xFFFF  }
0xd5: {  	_ =	shalt  }

</sc_bundles>
